<compile_context>
chip_gen: v7x
topology: tpu7x:2x2x1
jax: 0.10.2.dev20260603
libtpu: 0.0.44.dev20260713+nightly
codegen_flags: <defaults>
</compile_context>

<pallas_src>
import functools

import jax
import jax.numpy as jnp
from jax import lax
from jax.experimental import pallas as pl
from jax.experimental.pallas import tpu as pltpu
from jax.experimental.pallas import tpu_sc as plsc

N_NODES = 10000
D_FEAT = 128
N_EDGES = 320000

NC = 2
NS = 16
NW = NC * NS

B_W = N_EDGES // NW
CHUNK = 80
N_CHUNK = B_W // CHUNK
GFAN = 1
GROUP = CHUNK * GFAN
N_GROUP = B_W // GROUP
NBUF = 4
STAGE_SPLIT = 8


def _make_gather():
    mesh = plsc.VectorSubcoreMesh(
        core_axis_name="c", subcore_axis_name="s", num_cores=NC, num_subcores=NS
    )

    @functools.partial(
        pl.kernel,
        out_type=jax.ShapeDtypeStruct((N_EDGES, D_FEAT), jnp.float32),
        mesh=mesh,
        scratch_types=[
            pltpu.VMEM((B_W,), jnp.int32),
            pltpu.VMEM((NBUF, GROUP, D_FEAT), jnp.float32),
            pltpu.VMEM_SHARED((N_NODES, D_FEAT), jnp.float32),
            pltpu.SemaphoreType.DMA((NBUF,)),
            pltpu.SemaphoreType.DMA((NBUF,)),
            pltpu.SemaphoreType.DMA,
        ],
    )
    def gather_kernel(table_hbm, idx_hbm, out_hbm, idx_v, rows_v, table_sp,
                      gsem, ssem, tsem):
        sid = lax.axis_index("s")
        wid = sid * NC + lax.axis_index("c")
        base = wid * B_W

        @pl.when(sid < NS - 1)
        def _():
            step = 640 // STAGE_SPLIT
            for j in range(STAGE_SPLIT):
                pltpu.async_copy(
                    table_hbm.at[pl.ds(sid * 640 + j * step, step)],
                    table_sp.at[pl.ds(sid * 640 + j * step, step)],
                    tsem,
                )

        @pl.when(sid == NS - 1)
        def _():
            for off, sz in ((0, 160), (160, 160), (320, 80)):
                pltpu.async_copy(
                    table_hbm.at[pl.ds((NS - 1) * 640 + off, sz)],
                    table_sp.at[pl.ds((NS - 1) * 640 + off, sz)],
                    tsem,
                )

        pltpu.sync_copy(idx_hbm.at[wid], idx_v)

        @pl.when(sid < NS - 1)
        def _():
            pltpu.make_async_copy(
                table_hbm.at[pl.ds(0, 640)],
                table_sp.at[pl.ds(0, 640)],
                tsem,
            ).wait()

        @pl.when(sid == NS - 1)
        def _():
            pltpu.make_async_copy(
                table_hbm.at[pl.ds(0, 400)],
                table_sp.at[pl.ds(0, 400)],
                tsem,
            ).wait()

        plsc.subcore_barrier()

        def start_gathers(g, b):
            for k in range(GFAN):
                pltpu.async_copy(
                    table_sp.at[idx_v.at[pl.ds((g * GFAN + k) * CHUNK, CHUNK)]],
                    rows_v.at[b].at[pl.ds(k * CHUNK, CHUNK)],
                    gsem.at[b],
                )

        def wait_gathers(b):
            pltpu.make_async_copy(
                table_hbm.at[pl.ds(0, GROUP)], rows_v.at[b], gsem.at[b]
            ).wait()

        def store_slot(g):
            return out_hbm.at[pl.ds(base + g * GROUP, GROUP)]

        def start_store(g, b):
            pltpu.async_copy(rows_v.at[b], store_slot(g), ssem.at[b])

        def wait_store(g, b):
            pltpu.make_async_copy(rows_v.at[b], store_slot(g), ssem.at[b]).wait()

        for b in range(2):
            start_gathers(b, b)

        main_end = ((N_GROUP - 2) // NBUF) * NBUF

        @pl.loop(0, main_end, step=NBUF)
        def _ring(g0):
            for b in range(NBUF):
                g = g0 + b
                b_next = (b + 2) % NBUF

                @pl.when(g > 1)
                def _():
                    wait_store(g - 2, b_next)

                @pl.when(g + 2 < N_GROUP)
                def _():
                    start_gathers(g + 2, b_next)

                wait_gathers(b)
                start_store(g, b)

        for g in range(main_end, N_GROUP):
            b = g % NBUF
            b_next = (b + 2) % NBUF
            if g > 1:
                wait_store(g - 2, b_next)
            if g + 2 < N_GROUP:
                start_gathers(g + 2, b_next)
            wait_gathers(b)
            start_store(g, b)

        wait_store(N_GROUP - 2, (N_GROUP - 2) % NBUF)
        wait_store(N_GROUP - 1, (N_GROUP - 1) % NBUF)

    return gather_kernel


_gather = _make_gather()


@jax.jit
def kernel(V_set, node_ids):
    table = V_set[0]
    idx = node_ids.reshape(NW, B_W)
    out = _gather(table, idx)
    return out[jnp.newaxis]

# --- scband reference (transcript-rebuilt; emitter-appended) ---
"""Pipeline reference for scband-gather-nodes-layer-86028194939130 (READ-ONLY COPY).

The authoritative reference and input builder live on the scoring server;
editing this copy changes nothing except your own understanding.
"""

import jax, jax.numpy as jnp
import numpy as np

N_NODES = 10000
D_FEAT = 128
N_EDGES = 320000


def setup_inputs(seed: int = 0) -> dict:
    key = jax.random.key(seed)
    k1, k2 = jax.random.split(key)
    V_set = jax.random.normal(k1, (1, N_NODES, D_FEAT), dtype=jnp.float32)
    node_ids = jax.random.randint(k2, (1, N_EDGES), 0, N_NODES, dtype=jnp.int32)
    return {"V_set": V_set, "node_ids": node_ids}


def reference(V_set, node_ids):
    # tf.gather(V_set[0], node_ids[0])[tf.newaxis, ...]
    gathered = jnp.take(V_set[0], node_ids[0], axis=0)
    return gathered[jnp.newaxis, ...]

if __name__ == "__main__":
    import jax
    _d = setup_inputs()
    print(jax.jit(kernel)(*tuple(_d.values())))

</pallas_src>

<mosaic_0001>
#map = affine_map<(d0, d1) -> (0, 0)>
module attributes {stable_mosaic.version = 14 : i64} {
  func.func @gather_kernel(%arg0: i32, %arg1: i32, %arg2: memref<10000x128xf32, #tpu.memory_space<hbm>>, %arg3: memref<32x10000xi32, #tpu.memory_space<hbm>>, %arg4: memref<320000x128xf32, #tpu.memory_space<hbm>>, %arg5: memref<10000xi32, #tpu.memory_space<vmem>>, %arg6: memref<4x80x128xf32, #tpu.memory_space<vmem>>, %arg7: memref<10000x128xf32, #tpu.memory_space<vmem_shared>>, %arg8: memref<4x!tpu.dma_semaphore, #tpu.memory_space<semaphore_mem>>, %arg9: memref<4x!tpu.dma_semaphore, #tpu.memory_space<semaphore_mem>>, %arg10: memref<!tpu.dma_semaphore, #tpu.memory_space<semaphore_mem>>) attributes {dimension_semantics = [#tpu.dimension_semantics<core_parallel>, #tpu.dimension_semantics<subcore_parallel>], iteration_bounds = array<i64: 2, 16>, scalar_prefetch = 0 : i64, scratch_operands = 6 : i64, tpu.core_type = #tpu.core_type<sc_vector_subcore>, window_params = [{transform_indices = #map}, {transform_indices = #map}, {transform_indices = #map}]} {
    %mul3A = arith.constant 2 : i32
    %mul3A_0 = arith.muli %arg1, %mul3A : i32
    %add3A = arith.addi %mul3A_0, %arg0 : i32
    %mul3A_1 = arith.constant 10000 : i32
    %mul3A_2 = arith.muli %add3A, %mul3A_1 : i32
    %lt3A = arith.constant 15 : i32
    %lt3A_3 = arith.cmpi slt, %arg1, %lt3A : i32
    %convert_element_type3A = arith.extui %lt3A_3 : i1 to i32
    %cond3A = arith.constant 0 : i32
    %cond3A_4 = arith.cmpi ne, %convert_element_type3A, %cond3A : i32
    scf.if %cond3A_4 {
      %mul3A_407 = arith.constant 640 : i32
      %mul3A_408 = arith.muli %arg1, %mul3A_407 : i32
      %add3A_409 = arith.constant 0 : i32
      %add3A_410 = arith.addi %mul3A_408, %add3A_409 : i32
      %mul3A_411 = arith.constant 640 : i32
      %mul3A_412 = arith.muli %arg1, %mul3A_411 : i32
      %add3A_413 = arith.constant 0 : i32
      %add3A_414 = arith.addi %mul3A_412, %add3A_413 : i32
      %dma_start3A_415 = arith.constant 0 : i32
      %dma_start3A_416 = tpu.memref_slice %arg7[%add3A_414, %dma_start3A_415] : memref<10000x128xf32, #tpu.memory_space<vmem_shared>> -> memref<80x128xf32, #tpu.memory_space<vmem_shared>>
      %dma_start3A_417 = arith.constant 0 : i32
      %dma_start3A_418 = tpu.memref_slice %arg2[%add3A_410, %dma_start3A_417] : memref<10000x128xf32, #tpu.memory_space<hbm>> -> memref<80x128xf32, #tpu.memory_space<hbm>>
      tpu.enqueue_dma source(%dma_start3A_418 : memref<80x128xf32, #tpu.memory_space<hbm>>) target(%dma_start3A_416 : memref<80x128xf32, #tpu.memory_space<vmem_shared>>) target_semaphore(%arg10 : memref<!tpu.dma_semaphore, #tpu.memory_space<semaphore_mem>>)
      %mul3A_419 = arith.constant 640 : i32
      %mul3A_420 = arith.muli %arg1, %mul3A_419 : i32
      %add3A_421 = arith.constant 80 : i32
      %add3A_422 = arith.addi %mul3A_420, %add3A_421 : i32
      %mul3A_423 = arith.constant 640 : i32
      %mul3A_424 = arith.muli %arg1, %mul3A_423 : i32
      %add3A_425 = arith.constant 80 : i32
      %add3A_426 = arith.addi %mul3A_424, %add3A_425 : i32
      %dma_start3A_427 = arith.constant 0 : i32
      %dma_start3A_428 = tpu.memref_slice %arg7[%add3A_426, %dma_start3A_427] : memref<10000x128xf32, #tpu.memory_space<vmem_shared>> -> memref<80x128xf32, #tpu.memory_space<vmem_shared>>
      %dma_start3A_429 = arith.constant 0 : i32
      %dma_start3A_430 = tpu.memref_slice %arg2[%add3A_422, %dma_start3A_429] : memref<10000x128xf32, #tpu.memory_space<hbm>> -> memref<80x128xf32, #tpu.memory_space<hbm>>
      tpu.enqueue_dma source(%dma_start3A_430 : memref<80x128xf32, #tpu.memory_space<hbm>>) target(%dma_start3A_428 : memref<80x128xf32, #tpu.memory_space<vmem_shared>>) target_semaphore(%arg10 : memref<!tpu.dma_semaphore, #tpu.memory_space<semaphore_mem>>)
      %mul3A_431 = arith.constant 640 : i32
      %mul3A_432 = arith.muli %arg1, %mul3A_431 : i32
      %add3A_433 = arith.constant 160 : i32
      %add3A_434 = arith.addi %mul3A_432, %add3A_433 : i32
      %mul3A_435 = arith.constant 640 : i32
      %mul3A_436 = arith.muli %arg1, %mul3A_435 : i32
      %add3A_437 = arith.constant 160 : i32
      %add3A_438 = arith.addi %mul3A_436, %add3A_437 : i32
      %dma_start3A_439 = arith.constant 0 : i32
      %dma_start3A_440 = tpu.memref_slice %arg7[%add3A_438, %dma_start3A_439] : memref<10000x128xf32, #tpu.memory_space<vmem_shared>> -> memref<80x128xf32, #tpu.memory_space<vmem_shared>>
      %dma_start3A_441 = arith.constant 0 : i32
      %dma_start3A_442 = tpu.memref_slice %arg2[%add3A_434, %dma_start3A_441] : memref<10000x128xf32, #tpu.memory_space<hbm>> -> memref<80x128xf32, #tpu.memory_space<hbm>>
      tpu.enqueue_dma source(%dma_start3A_442 : memref<80x128xf32, #tpu.memory_space<hbm>>) target(%dma_start3A_440 : memref<80x128xf32, #tpu.memory_space<vmem_shared>>) target_semaphore(%arg10 : memref<!tpu.dma_semaphore, #tpu.memory_space<semaphore_mem>>)
      %mul3A_443 = arith.constant 640 : i32
      %mul3A_444 = arith.muli %arg1, %mul3A_443 : i32
      %add3A_445 = arith.constant 240 : i32
      %add3A_446 = arith.addi %mul3A_444, %add3A_445 : i32
      %mul3A_447 = arith.constant 640 : i32
      %mul3A_448 = arith.muli %arg1, %mul3A_447 : i32
      %add3A_449 = arith.constant 240 : i32
      %add3A_450 = arith.addi %mul3A_448, %add3A_449 : i32
      %dma_start3A_451 = arith.constant 0 : i32
      %dma_start3A_452 = tpu.memref_slice %arg7[%add3A_450, %dma_start3A_451] : memref<10000x128xf32, #tpu.memory_space<vmem_shared>> -> memref<80x128xf32, #tpu.memory_space<vmem_shared>>
      %dma_start3A_453 = arith.constant 0 : i32
      %dma_start3A_454 = tpu.memref_slice %arg2[%add3A_446, %dma_start3A_453] : memref<10000x128xf32, #tpu.memory_space<hbm>> -> memref<80x128xf32, #tpu.memory_space<hbm>>
      tpu.enqueue_dma source(%dma_start3A_454 : memref<80x128xf32, #tpu.memory_space<hbm>>) target(%dma_start3A_452 : memref<80x128xf32, #tpu.memory_space<vmem_shared>>) target_semaphore(%arg10 : memref<!tpu.dma_semaphore, #tpu.memory_space<semaphore_mem>>)
      %mul3A_455 = arith.constant 640 : i32
      %mul3A_456 = arith.muli %arg1, %mul3A_455 : i32
      %add3A_457 = arith.constant 320 : i32
      %add3A_458 = arith.addi %mul3A_456, %add3A_457 : i32
      %mul3A_459 = arith.constant 640 : i32
      %mul3A_460 = arith.muli %arg1, %mul3A_459 : i32
      %add3A_461 = arith.constant 320 : i32
      %add3A_462 = arith.addi %mul3A_460, %add3A_461 : i32
      %dma_start3A_463 = arith.constant 0 : i32
      %dma_start3A_464 = tpu.memref_slice %arg7[%add3A_462, %dma_start3A_463] : memref<10000x128xf32, #tpu.memory_space<vmem_shared>> -> memref<80x128xf32, #tpu.memory_space<vmem_shared>>
      %dma_start3A_465 = arith.constant 0 : i32
      %dma_start3A_466 = tpu.memref_slice %arg2[%add3A_458, %dma_start3A_465] : memref<10000x128xf32, #tpu.memory_space<hbm>> -> memref<80x128xf32, #tpu.memory_space<hbm>>
      tpu.enqueue_dma source(%dma_start3A_466 : memref<80x128xf32, #tpu.memory_space<hbm>>) target(%dma_start3A_464 : memref<80x128xf32, #tpu.memory_space<vmem_shared>>) target_semaphore(%arg10 : memref<!tpu.dma_semaphore, #tpu.memory_space<semaphore_mem>>)
      %mul3A_467 = arith.constant 640 : i32
      %mul3A_468 = arith.muli %arg1, %mul3A_467 : i32
      %add3A_469 = arith.constant 400 : i32
      %add3A_470 = arith.addi %mul3A_468, %add3A_469 : i32
      %mul3A_471 = arith.constant 640 : i32
      %mul3A_472 = arith.muli %arg1, %mul3A_471 : i32
      %add3A_473 = arith.constant 400 : i32
      %add3A_474 = arith.addi %mul3A_472, %add3A_473 : i32
      %dma_start3A_475 = arith.constant 0 : i32
      %dma_start3A_476 = tpu.memref_slice %arg7[%add3A_474, %dma_start3A_475] : memref<10000x128xf32, #tpu.memory_space<vmem_shared>> -> memref<80x128xf32, #tpu.memory_space<vmem_shared>>
      %dma_start3A_477 = arith.constant 0 : i32
      %dma_start3A_478 = tpu.memref_slice %arg2[%add3A_470, %dma_start3A_477] : memref<10000x128xf32, #tpu.memory_space<hbm>> -> memref<80x128xf32, #tpu.memory_space<hbm>>
      tpu.enqueue_dma source(%dma_start3A_478 : memref<80x128xf32, #tpu.memory_space<hbm>>) target(%dma_start3A_476 : memref<80x128xf32, #tpu.memory_space<vmem_shared>>) target_semaphore(%arg10 : memref<!tpu.dma_semaphore, #tpu.memory_space<semaphore_mem>>)
      %mul3A_479 = arith.constant 640 : i32
      %mul3A_480 = arith.muli %arg1, %mul3A_479 : i32
      %add3A_481 = arith.constant 480 : i32
      %add3A_482 = arith.addi %mul3A_480, %add3A_481 : i32
      %mul3A_483 = arith.constant 640 : i32
      %mul3A_484 = arith.muli %arg1, %mul3A_483 : i32
      %add3A_485 = arith.constant 480 : i32
      %add3A_486 = arith.addi %mul3A_484, %add3A_485 : i32
      %dma_start3A_487 = arith.constant 0 : i32
      %dma_start3A_488 = tpu.memref_slice %arg7[%add3A_486, %dma_start3A_487] : memref<10000x128xf32, #tpu.memory_space<vmem_shared>> -> memref<80x128xf32, #tpu.memory_space<vmem_shared>>
      %dma_start3A_489 = arith.constant 0 : i32
      %dma_start3A_490 = tpu.memref_slice %arg2[%add3A_482, %dma_start3A_489] : memref<10000x128xf32, #tpu.memory_space<hbm>> -> memref<80x128xf32, #tpu.memory_space<hbm>>
      tpu.enqueue_dma source(%dma_start3A_490 : memref<80x128xf32, #tpu.memory_space<hbm>>) target(%dma_start3A_488 : memref<80x128xf32, #tpu.memory_space<vmem_shared>>) target_semaphore(%arg10 : memref<!tpu.dma_semaphore, #tpu.memory_space<semaphore_mem>>)
      %mul3A_491 = arith.constant 640 : i32
      %mul3A_492 = arith.muli %arg1, %mul3A_491 : i32
      %add3A_493 = arith.constant 560 : i32
      %add3A_494 = arith.addi %mul3A_492, %add3A_493 : i32
      %mul3A_495 = arith.constant 640 : i32
      %mul3A_496 = arith.muli %arg1, %mul3A_495 : i32
      %add3A_497 = arith.constant 560 : i32
      %add3A_498 = arith.addi %mul3A_496, %add3A_497 : i32
      %dma_start3A_499 = arith.constant 0 : i32
      %dma_start3A_500 = tpu.memref_slice %arg7[%add3A_498, %dma_start3A_499] : memref<10000x128xf32, #tpu.memory_space<vmem_shared>> -> memref<80x128xf32, #tpu.memory_space<vmem_shared>>
      %dma_start3A_501 = arith.constant 0 : i32
      %dma_start3A_502 = tpu.memref_slice %arg2[%add3A_494, %dma_start3A_501] : memref<10000x128xf32, #tpu.memory_space<hbm>> -> memref<80x128xf32, #tpu.memory_space<hbm>>
      tpu.enqueue_dma source(%dma_start3A_502 : memref<80x128xf32, #tpu.memory_space<hbm>>) target(%dma_start3A_500 : memref<80x128xf32, #tpu.memory_space<vmem_shared>>) target_semaphore(%arg10 : memref<!tpu.dma_semaphore, #tpu.memory_space<semaphore_mem>>)
    } else {
    }
    %eq3A = arith.constant 15 : i32
    %eq3A_5 = arith.cmpi eq, %arg1, %eq3A : i32
    %convert_element_type3A_6 = arith.extui %eq3A_5 : i1 to i32
    %cond3A_7 = arith.constant 0 : i32
    %cond3A_8 = arith.cmpi ne, %convert_element_type3A_6, %cond3A_7 : i32
    scf.if %cond3A_8 {
      %dma_start3A_407 = arith.constant 9600 : i32
      %dma_start3A_408 = arith.constant 0 : i32
      %dma_start3A_409 = tpu.memref_slice %arg7[%dma_start3A_407, %dma_start3A_408] : memref<10000x128xf32, #tpu.memory_space<vmem_shared>> -> memref<160x128xf32, #tpu.memory_space<vmem_shared>>
      %dma_start3A_410 = arith.constant 9600 : i32
      %dma_start3A_411 = arith.constant 0 : i32
      %dma_start3A_412 = tpu.memref_slice %arg2[%dma_start3A_410, %dma_start3A_411] : memref<10000x128xf32, #tpu.memory_space<hbm>> -> memref<160x128xf32, #tpu.memory_space<hbm>>
      tpu.enqueue_dma source(%dma_start3A_412 : memref<160x128xf32, #tpu.memory_space<hbm>>) target(%dma_start3A_409 : memref<160x128xf32, #tpu.memory_space<vmem_shared>>) target_semaphore(%arg10 : memref<!tpu.dma_semaphore, #tpu.memory_space<semaphore_mem>>)
      %dma_start3A_413 = arith.constant 9760 : i32
      %dma_start3A_414 = arith.constant 0 : i32
      %dma_start3A_415 = tpu.memref_slice %arg7[%dma_start3A_413, %dma_start3A_414] : memref<10000x128xf32, #tpu.memory_space<vmem_shared>> -> memref<160x128xf32, #tpu.memory_space<vmem_shared>>
      %dma_start3A_416 = arith.constant 9760 : i32
      %dma_start3A_417 = arith.constant 0 : i32
      %dma_start3A_418 = tpu.memref_slice %arg2[%dma_start3A_416, %dma_start3A_417] : memref<10000x128xf32, #tpu.memory_space<hbm>> -> memref<160x128xf32, #tpu.memory_space<hbm>>
      tpu.enqueue_dma source(%dma_start3A_418 : memref<160x128xf32, #tpu.memory_space<hbm>>) target(%dma_start3A_415 : memref<160x128xf32, #tpu.memory_space<vmem_shared>>) target_semaphore(%arg10 : memref<!tpu.dma_semaphore, #tpu.memory_space<semaphore_mem>>)
      %dma_start3A_419 = arith.constant 9920 : i32
      %dma_start3A_420 = arith.constant 0 : i32
      %dma_start3A_421 = tpu.memref_slice %arg7[%dma_start3A_419, %dma_start3A_420] : memref<10000x128xf32, #tpu.memory_space<vmem_shared>> -> memref<80x128xf32, #tpu.memory_space<vmem_shared>>
      %dma_start3A_422 = arith.constant 9920 : i32
      %dma_start3A_423 = arith.constant 0 : i32
      %dma_start3A_424 = tpu.memref_slice %arg2[%dma_start3A_422, %dma_start3A_423] : memref<10000x128xf32, #tpu.memory_space<hbm>> -> memref<80x128xf32, #tpu.memory_space<hbm>>
      tpu.enqueue_dma source(%dma_start3A_424 : memref<80x128xf32, #tpu.memory_space<hbm>>) target(%dma_start3A_421 : memref<80x128xf32, #tpu.memory_space<vmem_shared>>) target_semaphore(%arg10 : memref<!tpu.dma_semaphore, #tpu.memory_space<semaphore_mem>>)
    } else {
    }
    "tpu.region"() ({
      %run_scoped3A = tpu.sem_alloc : memref<!tpu.dma_semaphore, #tpu.memory_space<semaphore_mem>>
      %dma_start3A_407 = arith.constant 0 : i32
      %dma_start3A_408 = tpu.memref_slice %arg3[%add3A, %dma_start3A_407] : memref<32x10000xi32, #tpu.memory_space<hbm>> -> memref<1x10000xi32, #tpu.memory_space<hbm>>
      %dma_start3A_409 = tpu.memref_squeeze %dma_start3A_408 : memref<1x10000xi32, #tpu.memory_space<hbm>> -> memref<10000xi32, #tpu.memory_space<hbm>>
      %dma_start3A_410 = arith.constant 0 : i32
      %dma_start3A_411 = tpu.memref_slice %arg3[%add3A, %dma_start3A_410] : memref<32x10000xi32, #tpu.memory_space<hbm>> -> memref<1x10000xi32, #tpu.memory_space<hbm>>
      %dma_start3A_412 = tpu.memref_squeeze %dma_start3A_411 : memref<1x10000xi32, #tpu.memory_space<hbm>> -> memref<10000xi32, #tpu.memory_space<hbm>>
      tpu.enqueue_dma source(%dma_start3A_412 : memref<10000xi32, #tpu.memory_space<hbm>>) target(%arg5 : memref<10000xi32, #tpu.memory_space<vmem>>) target_semaphore(%run_scoped3A : memref<!tpu.dma_semaphore, #tpu.memory_space<semaphore_mem>>)
      %dma_wait3A_413 = arith.constant 0 : i32
      %dma_wait3A_414 = tpu.memref_slice %arg3[%add3A, %dma_wait3A_413] : memref<32x10000xi32, #tpu.memory_space<hbm>> -> memref<1x10000xi32, #tpu.memory_space<hbm>>
      %dma_wait3A_415 = tpu.memref_squeeze %dma_wait3A_414 : memref<1x10000xi32, #tpu.memory_space<hbm>> -> memref<10000xi32, #tpu.memory_space<hbm>>
      %dma_wait3A_416 = arith.constant 0 : i32
      %dma_wait3A_417 = tpu.memref_slice %arg3[%add3A, %dma_wait3A_416] : memref<32x10000xi32, #tpu.memory_space<hbm>> -> memref<1x10000xi32, #tpu.memory_space<hbm>>
      %dma_wait3A_418 = tpu.memref_squeeze %dma_wait3A_417 : memref<1x10000xi32, #tpu.memory_space<hbm>> -> memref<10000xi32, #tpu.memory_space<hbm>>
      tpu.wait_dma2 semaphore(%run_scoped3A : memref<!tpu.dma_semaphore, #tpu.memory_space<semaphore_mem>>) src(%dma_wait3A_418 : memref<10000xi32, #tpu.memory_space<hbm>>) dst(%arg5 : memref<10000xi32, #tpu.memory_space<vmem>>)
      tpu.yield
    }) : () -> ()
    %lt3A_9 = arith.constant 15 : i32
    %lt3A_10 = arith.cmpi slt, %arg1, %lt3A_9 : i32
    %convert_element_type3A_11 = arith.extui %lt3A_10 : i1 to i32
    %cond3A_12 = arith.constant 0 : i32
    %cond3A_13 = arith.cmpi ne, %convert_element_type3A_11, %cond3A_12 : i32
    scf.if %cond3A_13 {
      %dma_wait3A_407 = arith.constant 0 : i32
      %dma_wait3A_408 = arith.constant 0 : i32
      %dma_wait3A_409 = tpu.memref_slice %arg7[%dma_wait3A_407, %dma_wait3A_408] : memref<10000x128xf32, #tpu.memory_space<vmem_shared>> -> memref<640x128xf32, #tpu.memory_space<vmem_shared>>
      %dma_wait3A_410 = arith.constant 0 : i32
      %dma_wait3A_411 = arith.constant 0 : i32
      %dma_wait3A_412 = tpu.memref_slice %arg2[%dma_wait3A_410, %dma_wait3A_411] : memref<10000x128xf32, #tpu.memory_space<hbm>> -> memref<640x128xf32, #tpu.memory_space<hbm>>
      tpu.wait_dma2 semaphore(%arg10 : memref<!tpu.dma_semaphore, #tpu.memory_space<semaphore_mem>>) src(%dma_wait3A_412 : memref<640x128xf32, #tpu.memory_space<hbm>>) dst(%dma_wait3A_409 : memref<640x128xf32, #tpu.memory_space<vmem_shared>>)
    } else {
    }
    %eq3A_14 = arith.constant 15 : i32
    %eq3A_15 = arith.cmpi eq, %arg1, %eq3A_14 : i32
    %convert_element_type3A_16 = arith.extui %eq3A_15 : i1 to i32
    %cond3A_17 = arith.constant 0 : i32
    %cond3A_18 = arith.cmpi ne, %convert_element_type3A_16, %cond3A_17 : i32
    scf.if %cond3A_18 {
      %dma_wait3A_407 = arith.constant 0 : i32
      %dma_wait3A_408 = arith.constant 0 : i32
      %dma_wait3A_409 = tpu.memref_slice %arg7[%dma_wait3A_407, %dma_wait3A_408] : memref<10000x128xf32, #tpu.memory_space<vmem_shared>> -> memref<400x128xf32, #tpu.memory_space<vmem_shared>>
      %dma_wait3A_410 = arith.constant 0 : i32
      %dma_wait3A_411 = arith.constant 0 : i32
      %dma_wait3A_412 = tpu.memref_slice %arg2[%dma_wait3A_410, %dma_wait3A_411] : memref<10000x128xf32, #tpu.memory_space<hbm>> -> memref<400x128xf32, #tpu.memory_space<hbm>>
      tpu.wait_dma2 semaphore(%arg10 : memref<!tpu.dma_semaphore, #tpu.memory_space<semaphore_mem>>) src(%dma_wait3A_412 : memref<400x128xf32, #tpu.memory_space<hbm>>) dst(%dma_wait3A_409 : memref<400x128xf32, #tpu.memory_space<vmem_shared>>)
    } else {
    }
    %barrier3A = arith.constant 0 : index
    tpu.barrier barrier_id(%barrier3A)
    %dma_start3A = arith.constant 0 : i32
    %dma_start3A_19 = arith.constant 0 : i32
    %dma_start3A_20 = arith.constant 0 : i32
    %dma_start3A_21 = arith.constant 0 : i32
    %dma_start3A_22 = tpu.memref_slice %arg6[%dma_start3A, %dma_start3A_20, %dma_start3A_21] : memref<4x80x128xf32, #tpu.memory_space<vmem>> -> memref<1x80x128xf32, #tpu.memory_space<vmem>>
    %dma_start3A_23 = tpu.memref_squeeze %dma_start3A_22 : memref<1x80x128xf32, #tpu.memory_space<vmem>> -> memref<80x128xf32, #tpu.memory_space<vmem>>
    %dma_start3A_24 = arith.constant 0 : i32
    %dma_start3A_25 = arith.constant 0 : i32
    %dma_start3A_26 = tpu.memref_slice %dma_start3A_23[%dma_start3A_24, %dma_start3A_25] : memref<80x128xf32, #tpu.memory_space<vmem>> -> memref<80x128xf32, #tpu.memory_space<vmem>>
    %dma_start3A_27 = arith.constant 0 : i32
    %dma_start3A_28 = tpu.memref_slice %arg5[%dma_start3A_27] : memref<10000xi32, #tpu.memory_space<vmem>> -> memref<80xi32, #tpu.memory_space<vmem>>
    %dma_start3A_29 = arith.constant 0 : i32
    %dma_start3A_30 = arith.constant 0 : i32
    %dma_start3A_31 = tpu.memref_slice %arg7[%dma_start3A_29, %dma_start3A_30] : memref<10000x128xf32, #tpu.memory_space<vmem_shared>> -> memref<10000x128xf32, #tpu.memory_space<vmem_shared>>
    %dma_start3A_32 = tpu.memref_slice %arg8[%dma_start3A_19] : memref<4x!tpu.dma_semaphore, #tpu.memory_space<semaphore_mem>> -> memref<1x!tpu.dma_semaphore, #tpu.memory_space<semaphore_mem>>
    %dma_start3A_33 = tpu.memref_squeeze %dma_start3A_32 : memref<1x!tpu.dma_semaphore, #tpu.memory_space<semaphore_mem>> -> memref<!tpu.dma_semaphore, #tpu.memory_space<semaphore_mem>>
    tpu.enqueue_indirect_dma source(%dma_start3A_31 : memref<10000x128xf32, #tpu.memory_space<vmem_shared>>) target(%dma_start3A_26 : memref<80x128xf32, #tpu.memory_space<vmem>>) offsets(%dma_start3A_28 : memref<80xi32, #tpu.memory_space<vmem>>) semaphore(%dma_start3A_33 : memref<!tpu.dma_semaphore, #tpu.memory_space<semaphore_mem>>)
    %dma_start3A_34 = arith.constant 1 : i32
    %dma_start3A_35 = arith.constant 1 : i32
    %dma_start3A_36 = arith.constant 0 : i32
    %dma_start3A_37 = arith.constant 0 : i32
    %dma_start3A_38 = tpu.memref_slice %arg6[%dma_start3A_34, %dma_start3A_36, %dma_start3A_37] : memref<4x80x128xf32, #tpu.memory_space<vmem>> -> memref<1x80x128xf32, #tpu.memory_space<vmem>>
    %dma_start3A_39 = tpu.memref_squeeze %dma_start3A_38 : memref<1x80x128xf32, #tpu.memory_space<vmem>> -> memref<80x128xf32, #tpu.memory_space<vmem>>
    %dma_start3A_40 = arith.constant 0 : i32
    %dma_start3A_41 = arith.constant 0 : i32
    %dma_start3A_42 = tpu.memref_slice %dma_start3A_39[%dma_start3A_40, %dma_start3A_41] : memref<80x128xf32, #tpu.memory_space<vmem>> -> memref<80x128xf32, #tpu.memory_space<vmem>>
    %dma_start3A_43 = arith.constant 80 : i32
    %dma_start3A_44 = tpu.memref_slice %arg5[%dma_start3A_43] : memref<10000xi32, #tpu.memory_space<vmem>> -> memref<80xi32, #tpu.memory_space<vmem>>
    %dma_start3A_45 = arith.constant 0 : i32
    %dma_start3A_46 = arith.constant 0 : i32
    %dma_start3A_47 = tpu.memref_slice %arg7[%dma_start3A_45, %dma_start3A_46] : memref<10000x128xf32, #tpu.memory_space<vmem_shared>> -> memref<10000x128xf32, #tpu.memory_space<vmem_shared>>
    %dma_start3A_48 = tpu.memref_slice %arg8[%dma_start3A_35] : memref<4x!tpu.dma_semaphore, #tpu.memory_space<semaphore_mem>> -> memref<1x!tpu.dma_semaphore, #tpu.memory_space<semaphore_mem>>
    %dma_start3A_49 = tpu.memref_squeeze %dma_start3A_48 : memref<1x!tpu.dma_semaphore, #tpu.memory_space<semaphore_mem>> -> memref<!tpu.dma_semaphore, #tpu.memory_space<semaphore_mem>>
    tpu.enqueue_indirect_dma source(%dma_start3A_47 : memref<10000x128xf32, #tpu.memory_space<vmem_shared>>) target(%dma_start3A_42 : memref<80x128xf32, #tpu.memory_space<vmem>>) offsets(%dma_start3A_44 : memref<80xi32, #tpu.memory_space<vmem>>) semaphore(%dma_start3A_49 : memref<!tpu.dma_semaphore, #tpu.memory_space<semaphore_mem>>)
    %scan3A = arith.constant 0 : i32
    %scan3A_50 = arith.constant 30 : i32
    %scan3A_51 = arith.addi %scan3A, %scan3A_50 : i32
    %scan3A_52 = arith.constant 1 : i32
    scf.for %scan3A_407 = %scan3A to %scan3A_51 step %scan3A_52  : i32 {
      %mul3A_408 = arith.constant 4 : i32
      %mul3A_409 = arith.muli %scan3A_407, %mul3A_408 : i32
      %add3A_410 = arith.constant 0 : i32
      %add3A_411 = arith.addi %add3A_410, %mul3A_409 : i32
      %add3A_412 = arith.constant 0 : i32
      %add3A_413 = arith.addi %add3A_411, %add3A_412 : i32
      %gt3A = arith.constant 1 : i32
      %gt3A_414 = arith.cmpi sgt, %add3A_413, %gt3A : i32
      %convert_element_type3A_415 = arith.extui %gt3A_414 : i1 to i32
      %cond3A_416 = arith.constant 0 : i32
      %cond3A_417 = arith.cmpi ne, %convert_element_type3A_415, %cond3A_416 : i32
      scf.if %cond3A_417 {
        %sub3A = arith.constant 2 : i32
        %sub3A_615 = arith.subi %add3A_413, %sub3A : i32
        %mul3A_616 = arith.constant 80 : i32
        %mul3A_617 = arith.muli %sub3A_615, %mul3A_616 : i32
        %add3A_618 = arith.addi %mul3A_2, %mul3A_617 : i32
        %dma_wait3A_619 = arith.constant 2 : i32
        %dma_wait3A_620 = arith.constant 2 : i32
        %dma_wait3A_621 = arith.constant 0 : i32
        %dma_wait3A_622 = arith.constant 0 : i32
        %dma_wait3A_623 = tpu.memref_slice %arg6[%dma_wait3A_619, %dma_wait3A_621, %dma_wait3A_622] : memref<4x80x128xf32, #tpu.memory_space<vmem>> -> memref<1x80x128xf32, #tpu.memory_space<vmem>>
        %dma_wait3A_624 = tpu.memref_squeeze %dma_wait3A_623 : memref<1x80x128xf32, #tpu.memory_space<vmem>> -> memref<80x128xf32, #tpu.memory_space<vmem>>
        %dma_wait3A_625 = arith.constant 0 : i32
        %dma_wait3A_626 = tpu.memref_slice %arg4[%add3A_618, %dma_wait3A_625] : memref<320000x128xf32, #tpu.memory_space<hbm>> -> memref<80x128xf32, #tpu.memory_space<hbm>>
        %dma_wait3A_627 = tpu.memref_slice %arg9[%dma_wait3A_620] : memref<4x!tpu.dma_semaphore, #tpu.memory_space<semaphore_mem>> -> memref<1x!tpu.dma_semaphore, #tpu.memory_space<semaphore_mem>>
        %dma_wait3A_628 = tpu.memref_squeeze %dma_wait3A_627 : memref<1x!tpu.dma_semaphore, #tpu.memory_space<semaphore_mem>> -> memref<!tpu.dma_semaphore, #tpu.memory_space<semaphore_mem>>
        %dma_wait3A_629 = arith.constant 0 : i32
        %dma_wait3A_630 = tpu.memref_slice %arg4[%add3A_618, %dma_wait3A_629] : memref<320000x128xf32, #tpu.memory_space<hbm>> -> memref<80x128xf32, #tpu.memory_space<hbm>>
        %dma_wait3A_631 = arith.constant 0 : i32
        %dma_wait3A_632 = arith.constant 0 : i32
        %dma_wait3A_633 = tpu.memref_slice %arg6[%dma_wait3A_619, %dma_wait3A_631, %dma_wait3A_632] : memref<4x80x128xf32, #tpu.memory_space<vmem>> -> memref<1x80x128xf32, #tpu.memory_space<vmem>>
        %dma_wait3A_634 = tpu.memref_squeeze %dma_wait3A_633 : memref<1x80x128xf32, #tpu.memory_space<vmem>> -> memref<80x128xf32, #tpu.memory_space<vmem>>
        tpu.wait_dma2 semaphore(%dma_wait3A_628 : memref<!tpu.dma_semaphore, #tpu.memory_space<semaphore_mem>>) src(%dma_wait3A_634 : memref<80x128xf32, #tpu.memory_space<vmem>>) dst(%dma_wait3A_630 : memref<80x128xf32, #tpu.memory_space<hbm>>)
      } else {
      }
      %add3A_418 = arith.constant 2 : i32
      %add3A_419 = arith.addi %add3A_413, %add3A_418 : i32
      %lt3A_420 = arith.constant 125 : i32
      %lt3A_421 = arith.cmpi slt, %add3A_419, %lt3A_420 : i32
      %convert_element_type3A_422 = arith.extui %lt3A_421 : i1 to i32
      %cond3A_423 = arith.constant 0 : i32
      %cond3A_424 = arith.cmpi ne, %convert_element_type3A_422, %cond3A_423 : i32
      scf.if %cond3A_424 {
        %add3A_615 = arith.constant 2 : i32
        %add3A_616 = arith.addi %add3A_413, %add3A_615 : i32
        %mul3A_617 = arith.constant 1 : i32
        %mul3A_618 = arith.muli %add3A_616, %mul3A_617 : i32
        %add3A_619 = arith.constant 0 : i32
        %add3A_620 = arith.addi %mul3A_618, %add3A_619 : i32
        %mul3A_621 = arith.constant 80 : i32
        %mul3A_622 = arith.muli %add3A_620, %mul3A_621 : i32
        %dma_start3A_623 = arith.constant 2 : i32
        %dma_start3A_624 = arith.constant 2 : i32
        %dma_start3A_625 = arith.constant 0 : i32
        %dma_start3A_626 = arith.constant 0 : i32
        %dma_start3A_627 = tpu.memref_slice %arg6[%dma_start3A_623, %dma_start3A_625, %dma_start3A_626] : memref<4x80x128xf32, #tpu.memory_space<vmem>> -> memref<1x80x128xf32, #tpu.memory_space<vmem>>
        %dma_start3A_628 = tpu.memref_squeeze %dma_start3A_627 : memref<1x80x128xf32, #tpu.memory_space<vmem>> -> memref<80x128xf32, #tpu.memory_space<vmem>>
        %dma_start3A_629 = arith.constant 0 : i32
        %dma_start3A_630 = arith.constant 0 : i32
        %dma_start3A_631 = tpu.memref_slice %dma_start3A_628[%dma_start3A_629, %dma_start3A_630] : memref<80x128xf32, #tpu.memory_space<vmem>> -> memref<80x128xf32, #tpu.memory_space<vmem>>
        %dma_start3A_632 = tpu.memref_slice %arg5[%mul3A_622] : memref<10000xi32, #tpu.memory_space<vmem>> -> memref<80xi32, #tpu.memory_space<vmem>>
        %dma_start3A_633 = arith.constant 0 : i32
        %dma_start3A_634 = arith.constant 0 : i32
        %dma_start3A_635 = tpu.memref_slice %arg7[%dma_start3A_633, %dma_start3A_634] : memref<10000x128xf32, #tpu.memory_space<vmem_shared>> -> memref<10000x128xf32, #tpu.memory_space<vmem_shared>>
        %dma_start3A_636 = tpu.memref_slice %arg8[%dma_start3A_624] : memref<4x!tpu.dma_semaphore, #tpu.memory_space<semaphore_mem>> -> memref<1x!tpu.dma_semaphore, #tpu.memory_space<semaphore_mem>>
        %dma_start3A_637 = tpu.memref_squeeze %dma_start3A_636 : memref<1x!tpu.dma_semaphore, #tpu.memory_space<semaphore_mem>> -> memref<!tpu.dma_semaphore, #tpu.memory_space<semaphore_mem>>
        tpu.enqueue_indirect_dma source(%dma_start3A_635 : memref<10000x128xf32, #tpu.memory_space<vmem_shared>>) target(%dma_start3A_631 : memref<80x128xf32, #tpu.memory_space<vmem>>) offsets(%dma_start3A_632 : memref<80xi32, #tpu.memory_space<vmem>>) semaphore(%dma_start3A_637 : memref<!tpu.dma_semaphore, #tpu.memory_space<semaphore_mem>>)
      } else {
      }
      %dma_wait3A_425 = arith.constant 0 : i32
      %dma_wait3A_426 = arith.constant 0 : i32
      %dma_wait3A_427 = arith.constant 0 : i32
      %dma_wait3A_428 = arith.constant 0 : i32
      %dma_wait3A_429 = tpu.memref_slice %arg6[%dma_wait3A_425, %dma_wait3A_427, %dma_wait3A_428] : memref<4x80x128xf32, #tpu.memory_space<vmem>> -> memref<1x80x128xf32, #tpu.memory_space<vmem>>
      %dma_wait3A_430 = tpu.memref_squeeze %dma_wait3A_429 : memref<1x80x128xf32, #tpu.memory_space<vmem>> -> memref<80x128xf32, #tpu.memory_space<vmem>>
      %dma_wait3A_431 = arith.constant 0 : i32
      %dma_wait3A_432 = arith.constant 0 : i32
      %dma_wait3A_433 = tpu.memref_slice %arg2[%dma_wait3A_431, %dma_wait3A_432] : memref<10000x128xf32, #tpu.memory_space<hbm>> -> memref<80x128xf32, #tpu.memory_space<hbm>>
      %dma_wait3A_434 = tpu.memref_slice %arg8[%dma_wait3A_426] : memref<4x!tpu.dma_semaphore, #tpu.memory_space<semaphore_mem>> -> memref<1x!tpu.dma_semaphore, #tpu.memory_space<semaphore_mem>>
      %dma_wait3A_435 = tpu.memref_squeeze %dma_wait3A_434 : memref<1x!tpu.dma_semaphore, #tpu.memory_space<semaphore_mem>> -> memref<!tpu.dma_semaphore, #tpu.memory_space<semaphore_mem>>
      %dma_wait3A_436 = arith.constant 0 : i32
      %dma_wait3A_437 = arith.constant 0 : i32
      %dma_wait3A_438 = tpu.memref_slice %arg6[%dma_wait3A_425, %dma_wait3A_436, %dma_wait3A_437] : memref<4x80x128xf32, #tpu.memory_space<vmem>> -> memref<1x80x128xf32, #tpu.memory_space<vmem>>
      %dma_wait3A_439 = tpu.memref_squeeze %dma_wait3A_438 : memref<1x80x128xf32, #tpu.memory_space<vmem>> -> memref<80x128xf32, #tpu.memory_space<vmem>>
      %dma_wait3A_440 = arith.constant 0 : i32
      %dma_wait3A_441 = arith.constant 0 : i32
      %dma_wait3A_442 = tpu.memref_slice %arg2[%dma_wait3A_440, %dma_wait3A_441] : memref<10000x128xf32, #tpu.memory_space<hbm>> -> memref<80x128xf32, #tpu.memory_space<hbm>>
      tpu.wait_dma2 semaphore(%dma_wait3A_435 : memref<!tpu.dma_semaphore, #tpu.memory_space<semaphore_mem>>) src(%dma_wait3A_442 : memref<80x128xf32, #tpu.memory_space<hbm>>) dst(%dma_wait3A_439 : memref<80x128xf32, #tpu.memory_space<vmem>>)
      %mul3A_443 = arith.constant 80 : i32
      %mul3A_444 = arith.muli %add3A_413, %mul3A_443 : i32
      %add3A_445 = arith.addi %mul3A_2, %mul3A_444 : i32
      %dma_start3A_446 = arith.constant 0 : i32
      %dma_start3A_447 = arith.constant 0 : i32
      %dma_start3A_448 = arith.constant 0 : i32
      %dma_start3A_449 = arith.constant 0 : i32
      %dma_start3A_450 = tpu.memref_slice %arg6[%dma_start3A_446, %dma_start3A_448, %dma_start3A_449] : memref<4x80x128xf32, #tpu.memory_space<vmem>> -> memref<1x80x128xf32, #tpu.memory_space<vmem>>
      %dma_start3A_451 = tpu.memref_squeeze %dma_start3A_450 : memref<1x80x128xf32, #tpu.memory_space<vmem>> -> memref<80x128xf32, #tpu.memory_space<vmem>>
      %dma_start3A_452 = arith.constant 0 : i32
      %dma_start3A_453 = tpu.memref_slice %arg4[%add3A_445, %dma_start3A_452] : memref<320000x128xf32, #tpu.memory_space<hbm>> -> memref<80x128xf32, #tpu.memory_space<hbm>>
      %dma_start3A_454 = tpu.memref_slice %arg9[%dma_start3A_447] : memref<4x!tpu.dma_semaphore, #tpu.memory_space<semaphore_mem>> -> memref<1x!tpu.dma_semaphore, #tpu.memory_space<semaphore_mem>>
      %dma_start3A_455 = tpu.memref_squeeze %dma_start3A_454 : memref<1x!tpu.dma_semaphore, #tpu.memory_space<semaphore_mem>> -> memref<!tpu.dma_semaphore, #tpu.memory_space<semaphore_mem>>
      %dma_start3A_456 = arith.constant 0 : i32
      %dma_start3A_457 = tpu.memref_slice %arg4[%add3A_445, %dma_start3A_456] : memref<320000x128xf32, #tpu.memory_space<hbm>> -> memref<80x128xf32, #tpu.memory_space<hbm>>
      %dma_start3A_458 = arith.constant 0 : i32
      %dma_start3A_459 = arith.constant 0 : i32
      %dma_start3A_460 = tpu.memref_slice %arg6[%dma_start3A_446, %dma_start3A_458, %dma_start3A_459] : memref<4x80x128xf32, #tpu.memory_space<vmem>> -> memref<1x80x128xf32, #tpu.memory_space<vmem>>
      %dma_start3A_461 = tpu.memref_squeeze %dma_start3A_460 : memref<1x80x128xf32, #tpu.memory_space<vmem>> -> memref<80x128xf32, #tpu.memory_space<vmem>>
      tpu.enqueue_dma source(%dma_start3A_461 : memref<80x128xf32, #tpu.memory_space<vmem>>) target(%dma_start3A_457 : memref<80x128xf32, #tpu.memory_space<hbm>>) target_semaphore(%dma_start3A_455 : memref<!tpu.dma_semaphore, #tpu.memory_space<semaphore_mem>>)
      %add3A_462 = arith.constant 1 : i32
      %add3A_463 = arith.addi %add3A_411, %add3A_462 : i32
      %gt3A_464 = arith.constant 1 : i32
      %gt3A_465 = arith.cmpi sgt, %add3A_463, %gt3A_464 : i32
      %convert_element_type3A_466 = arith.extui %gt3A_465 : i1 to i32
      %cond3A_467 = arith.constant 0 : i32
      %cond3A_468 = arith.cmpi ne, %convert_element_type3A_466, %cond3A_467 : i32
      scf.if %cond3A_468 {
        %sub3A = arith.constant 2 : i32
        %sub3A_615 = arith.subi %add3A_463, %sub3A : i32
        %mul3A_616 = arith.constant 80 : i32
        %mul3A_617 = arith.muli %sub3A_615, %mul3A_616 : i32
        %add3A_618 = arith.addi %mul3A_2, %mul3A_617 : i32
        %dma_wait3A_619 = arith.constant 3 : i32
        %dma_wait3A_620 = arith.constant 3 : i32
        %dma_wait3A_621 = arith.constant 0 : i32
        %dma_wait3A_622 = arith.constant 0 : i32
        %dma_wait3A_623 = tpu.memref_slice %arg6[%dma_wait3A_619, %dma_wait3A_621, %dma_wait3A_622] : memref<4x80x128xf32, #tpu.memory_space<vmem>> -> memref<1x80x128xf32, #tpu.memory_space<vmem>>
        %dma_wait3A_624 = tpu.memref_squeeze %dma_wait3A_623 : memref<1x80x128xf32, #tpu.memory_space<vmem>> -> memref<80x128xf32, #tpu.memory_space<vmem>>
        %dma_wait3A_625 = arith.constant 0 : i32
        %dma_wait3A_626 = tpu.memref_slice %arg4[%add3A_618, %dma_wait3A_625] : memref<320000x128xf32, #tpu.memory_space<hbm>> -> memref<80x128xf32, #tpu.memory_space<hbm>>
        %dma_wait3A_627 = tpu.memref_slice %arg9[%dma_wait3A_620] : memref<4x!tpu.dma_semaphore, #tpu.memory_space<semaphore_mem>> -> memref<1x!tpu.dma_semaphore, #tpu.memory_space<semaphore_mem>>
        %dma_wait3A_628 = tpu.memref_squeeze %dma_wait3A_627 : memref<1x!tpu.dma_semaphore, #tpu.memory_space<semaphore_mem>> -> memref<!tpu.dma_semaphore, #tpu.memory_space<semaphore_mem>>
        %dma_wait3A_629 = arith.constant 0 : i32
        %dma_wait3A_630 = tpu.memref_slice %arg4[%add3A_618, %dma_wait3A_629] : memref<320000x128xf32, #tpu.memory_space<hbm>> -> memref<80x128xf32, #tpu.memory_space<hbm>>
        %dma_wait3A_631 = arith.constant 0 : i32
        %dma_wait3A_632 = arith.constant 0 : i32
        %dma_wait3A_633 = tpu.memref_slice %arg6[%dma_wait3A_619, %dma_wait3A_631, %dma_wait3A_632] : memref<4x80x128xf32, #tpu.memory_space<vmem>> -> memref<1x80x128xf32, #tpu.memory_space<vmem>>
        %dma_wait3A_634 = tpu.memref_squeeze %dma_wait3A_633 : memref<1x80x128xf32, #tpu.memory_space<vmem>> -> memref<80x128xf32, #tpu.memory_space<vmem>>
        tpu.wait_dma2 semaphore(%dma_wait3A_628 : memref<!tpu.dma_semaphore, #tpu.memory_space<semaphore_mem>>) src(%dma_wait3A_634 : memref<80x128xf32, #tpu.memory_space<vmem>>) dst(%dma_wait3A_630 : memref<80x128xf32, #tpu.memory_space<hbm>>)
      } else {
      }
      %add3A_469 = arith.constant 2 : i32
      %add3A_470 = arith.addi %add3A_463, %add3A_469 : i32
      %lt3A_471 = arith.constant 125 : i32
      %lt3A_472 = arith.cmpi slt, %add3A_470, %lt3A_471 : i32
      %convert_element_type3A_473 = arith.extui %lt3A_472 : i1 to i32
      %cond3A_474 = arith.constant 0 : i32
      %cond3A_475 = arith.cmpi ne, %convert_element_type3A_473, %cond3A_474 : i32
      scf.if %cond3A_475 {
        %add3A_615 = arith.constant 2 : i32
        %add3A_616 = arith.addi %add3A_463, %add3A_615 : i32
        %mul3A_617 = arith.constant 1 : i32
        %mul3A_618 = arith.muli %add3A_616, %mul3A_617 : i32
        %add3A_619 = arith.constant 0 : i32
        %add3A_620 = arith.addi %mul3A_618, %add3A_619 : i32
        %mul3A_621 = arith.constant 80 : i32
        %mul3A_622 = arith.muli %add3A_620, %mul3A_621 : i32
        %dma_start3A_623 = arith.constant 3 : i32
        %dma_start3A_624 = arith.constant 3 : i32
        %dma_start3A_625 = arith.constant 0 : i32
        %dma_start3A_626 = arith.constant 0 : i32
        %dma_start3A_627 = tpu.memref_slice %arg6[%dma_start3A_623, %dma_start3A_625, %dma_start3A_626] : memref<4x80x128xf32, #tpu.memory_space<vmem>> -> memref<1x80x128xf32, #tpu.memory_space<vmem>>
        %dma_start3A_628 = tpu.memref_squeeze %dma_start3A_627 : memref<1x80x128xf32, #tpu.memory_space<vmem>> -> memref<80x128xf32, #tpu.memory_space<vmem>>
        %dma_start3A_629 = arith.constant 0 : i32
        %dma_start3A_630 = arith.constant 0 : i32
        %dma_start3A_631 = tpu.memref_slice %dma_start3A_628[%dma_start3A_629, %dma_start3A_630] : memref<80x128xf32, #tpu.memory_space<vmem>> -> memref<80x128xf32, #tpu.memory_space<vmem>>
        %dma_start3A_632 = tpu.memref_slice %arg5[%mul3A_622] : memref<10000xi32, #tpu.memory_space<vmem>> -> memref<80xi32, #tpu.memory_space<vmem>>
        %dma_start3A_633 = arith.constant 0 : i32
        %dma_start3A_634 = arith.constant 0 : i32
        %dma_start3A_635 = tpu.memref_slice %arg7[%dma_start3A_633, %dma_start3A_634] : memref<10000x128xf32, #tpu.memory_space<vmem_shared>> -> memref<10000x128xf32, #tpu.memory_space<vmem_shared>>
        %dma_start3A_636 = tpu.memref_slice %arg8[%dma_start3A_624] : memref<4x!tpu.dma_semaphore, #tpu.memory_space<semaphore_mem>> -> memref<1x!tpu.dma_semaphore, #tpu.memory_space<semaphore_mem>>
        %dma_start3A_637 = tpu.memref_squeeze %dma_start3A_636 : memref<1x!tpu.dma_semaphore, #tpu.memory_space<semaphore_mem>> -> memref<!tpu.dma_semaphore, #tpu.memory_space<semaphore_mem>>
        tpu.enqueue_indirect_dma source(%dma_start3A_635 : memref<10000x128xf32, #tpu.memory_space<vmem_shared>>) target(%dma_start3A_631 : memref<80x128xf32, #tpu.memory_space<vmem>>) offsets(%dma_start3A_632 : memref<80xi32, #tpu.memory_space<vmem>>) semaphore(%dma_start3A_637 : memref<!tpu.dma_semaphore, #tpu.memory_space<semaphore_mem>>)
      } else {
      }
      %dma_wait3A_476 = arith.constant 1 : i32
      %dma_wait3A_477 = arith.constant 1 : i32
      %dma_wait3A_478 = arith.constant 0 : i32
      %dma_wait3A_479 = arith.constant 0 : i32
      %dma_wait3A_480 = tpu.memref_slice %arg6[%dma_wait3A_476, %dma_wait3A_478, %dma_wait3A_479] : memref<4x80x128xf32, #tpu.memory_space<vmem>> -> memref<1x80x128xf32, #tpu.memory_space<vmem>>
      %dma_wait3A_481 = tpu.memref_squeeze %dma_wait3A_480 : memref<1x80x128xf32, #tpu.memory_space<vmem>> -> memref<80x128xf32, #tpu.memory_space<vmem>>
      %dma_wait3A_482 = arith.constant 0 : i32
      %dma_wait3A_483 = arith.constant 0 : i32
      %dma_wait3A_484 = tpu.memref_slice %arg2[%dma_wait3A_482, %dma_wait3A_483] : memref<10000x128xf32, #tpu.memory_space<hbm>> -> memref<80x128xf32, #tpu.memory_space<hbm>>
      %dma_wait3A_485 = tpu.memref_slice %arg8[%dma_wait3A_477] : memref<4x!tpu.dma_semaphore, #tpu.memory_space<semaphore_mem>> -> memref<1x!tpu.dma_semaphore, #tpu.memory_space<semaphore_mem>>
      %dma_wait3A_486 = tpu.memref_squeeze %dma_wait3A_485 : memref<1x!tpu.dma_semaphore, #tpu.memory_space<semaphore_mem>> -> memref<!tpu.dma_semaphore, #tpu.memory_space<semaphore_mem>>
      %dma_wait3A_487 = arith.constant 0 : i32
      %dma_wait3A_488 = arith.constant 0 : i32
      %dma_wait3A_489 = tpu.memref_slice %arg6[%dma_wait3A_476, %dma_wait3A_487, %dma_wait3A_488] : memref<4x80x128xf32, #tpu.memory_space<vmem>> -> memref<1x80x128xf32, #tpu.memory_space<vmem>>
      %dma_wait3A_490 = tpu.memref_squeeze %dma_wait3A_489 : memref<1x80x128xf32, #tpu.memory_space<vmem>> -> memref<80x128xf32, #tpu.memory_space<vmem>>
      %dma_wait3A_491 = arith.constant 0 : i32
      %dma_wait3A_492 = arith.constant 0 : i32
      %dma_wait3A_493 = tpu.memref_slice %arg2[%dma_wait3A_491, %dma_wait3A_492] : memref<10000x128xf32, #tpu.memory_space<hbm>> -> memref<80x128xf32, #tpu.memory_space<hbm>>
      tpu.wait_dma2 semaphore(%dma_wait3A_486 : memref<!tpu.dma_semaphore, #tpu.memory_space<semaphore_mem>>) src(%dma_wait3A_493 : memref<80x128xf32, #tpu.memory_space<hbm>>) dst(%dma_wait3A_490 : memref<80x128xf32, #tpu.memory_space<vmem>>)
      %mul3A_494 = arith.constant 80 : i32
      %mul3A_495 = arith.muli %add3A_463, %mul3A_494 : i32
      %add3A_496 = arith.addi %mul3A_2, %mul3A_495 : i32
      %dma_start3A_497 = arith.constant 1 : i32
      %dma_start3A_498 = arith.constant 1 : i32
      %dma_start3A_499 = arith.constant 0 : i32
      %dma_start3A_500 = arith.constant 0 : i32
      %dma_start3A_501 = tpu.memref_slice %arg6[%dma_start3A_497, %dma_start3A_499, %dma_start3A_500] : memref<4x80x128xf32, #tpu.memory_space<vmem>> -> memref<1x80x128xf32, #tpu.memory_space<vmem>>
      %dma_start3A_502 = tpu.memref_squeeze %dma_start3A_501 : memref<1x80x128xf32, #tpu.memory_space<vmem>> -> memref<80x128xf32, #tpu.memory_space<vmem>>
      %dma_start3A_503 = arith.constant 0 : i32
      %dma_start3A_504 = tpu.memref_slice %arg4[%add3A_496, %dma_start3A_503] : memref<320000x128xf32, #tpu.memory_space<hbm>> -> memref<80x128xf32, #tpu.memory_space<hbm>>
      %dma_start3A_505 = tpu.memref_slice %arg9[%dma_start3A_498] : memref<4x!tpu.dma_semaphore, #tpu.memory_space<semaphore_mem>> -> memref<1x!tpu.dma_semaphore, #tpu.memory_space<semaphore_mem>>
      %dma_start3A_506 = tpu.memref_squeeze %dma_start3A_505 : memref<1x!tpu.dma_semaphore, #tpu.memory_space<semaphore_mem>> -> memref<!tpu.dma_semaphore, #tpu.memory_space<semaphore_mem>>
      %dma_start3A_507 = arith.constant 0 : i32
      %dma_start3A_508 = tpu.memref_slice %arg4[%add3A_496, %dma_start3A_507] : memref<320000x128xf32, #tpu.memory_space<hbm>> -> memref<80x128xf32, #tpu.memory_space<hbm>>
      %dma_start3A_509 = arith.constant 0 : i32
      %dma_start3A_510 = arith.constant 0 : i32
      %dma_start3A_511 = tpu.memref_slice %arg6[%dma_start3A_497, %dma_start3A_509, %dma_start3A_510] : memref<4x80x128xf32, #tpu.memory_space<vmem>> -> memref<1x80x128xf32, #tpu.memory_space<vmem>>
      %dma_start3A_512 = tpu.memref_squeeze %dma_start3A_511 : memref<1x80x128xf32, #tpu.memory_space<vmem>> -> memref<80x128xf32, #tpu.memory_space<vmem>>
      tpu.enqueue_dma source(%dma_start3A_512 : memref<80x128xf32, #tpu.memory_space<vmem>>) target(%dma_start3A_508 : memref<80x128xf32, #tpu.memory_space<hbm>>) target_semaphore(%dma_start3A_506 : memref<!tpu.dma_semaphore, #tpu.memory_space<semaphore_mem>>)
      %add3A_513 = arith.constant 2 : i32
      %add3A_514 = arith.addi %add3A_411, %add3A_513 : i32
      %gt3A_515 = arith.constant 1 : i32
      %gt3A_516 = arith.cmpi sgt, %add3A_514, %gt3A_515 : i32
      %convert_element_type3A_517 = arith.extui %gt3A_516 : i1 to i32
      %cond3A_518 = arith.constant 0 : i32
      %cond3A_519 = arith.cmpi ne, %convert_element_type3A_517, %cond3A_518 : i32
      scf.if %cond3A_519 {
        %sub3A = arith.constant 2 : i32
        %sub3A_615 = arith.subi %add3A_514, %sub3A : i32
        %mul3A_616 = arith.constant 80 : i32
        %mul3A_617 = arith.muli %sub3A_615, %mul3A_616 : i32
        %add3A_618 = arith.addi %mul3A_2, %mul3A_617 : i32
        %dma_wait3A_619 = arith.constant 0 : i32
        %dma_wait3A_620 = arith.constant 0 : i32
        %dma_wait3A_621 = arith.constant 0 : i32
        %dma_wait3A_622 = arith.constant 0 : i32
        %dma_wait3A_623 = tpu.memref_slice %arg6[%dma_wait3A_619, %dma_wait3A_621, %dma_wait3A_622] : memref<4x80x128xf32, #tpu.memory_space<vmem>> -> memref<1x80x128xf32, #tpu.memory_space<vmem>>
        %dma_wait3A_624 = tpu.memref_squeeze %dma_wait3A_623 : memref<1x80x128xf32, #tpu.memory_space<vmem>> -> memref<80x128xf32, #tpu.memory_space<vmem>>
        %dma_wait3A_625 = arith.constant 0 : i32
        %dma_wait3A_626 = tpu.memref_slice %arg4[%add3A_618, %dma_wait3A_625] : memref<320000x128xf32, #tpu.memory_space<hbm>> -> memref<80x128xf32, #tpu.memory_space<hbm>>
        %dma_wait3A_627 = tpu.memref_slice %arg9[%dma_wait3A_620] : memref<4x!tpu.dma_semaphore, #tpu.memory_space<semaphore_mem>> -> memref<1x!tpu.dma_semaphore, #tpu.memory_space<semaphore_mem>>
        %dma_wait3A_628 = tpu.memref_squeeze %dma_wait3A_627 : memref<1x!tpu.dma_semaphore, #tpu.memory_space<semaphore_mem>> -> memref<!tpu.dma_semaphore, #tpu.memory_space<semaphore_mem>>
        %dma_wait3A_629 = arith.constant 0 : i32
        %dma_wait3A_630 = tpu.memref_slice %arg4[%add3A_618, %dma_wait3A_629] : memref<320000x128xf32, #tpu.memory_space<hbm>> -> memref<80x128xf32, #tpu.memory_space<hbm>>
        %dma_wait3A_631 = arith.constant 0 : i32
        %dma_wait3A_632 = arith.constant 0 : i32
        %dma_wait3A_633 = tpu.memref_slice %arg6[%dma_wait3A_619, %dma_wait3A_631, %dma_wait3A_632] : memref<4x80x128xf32, #tpu.memory_space<vmem>> -> memref<1x80x128xf32, #tpu.memory_space<vmem>>
        %dma_wait3A_634 = tpu.memref_squeeze %dma_wait3A_633 : memref<1x80x128xf32, #tpu.memory_space<vmem>> -> memref<80x128xf32, #tpu.memory_space<vmem>>
        tpu.wait_dma2 semaphore(%dma_wait3A_628 : memref<!tpu.dma_semaphore, #tpu.memory_space<semaphore_mem>>) src(%dma_wait3A_634 : memref<80x128xf32, #tpu.memory_space<vmem>>) dst(%dma_wait3A_630 : memref<80x128xf32, #tpu.memory_space<hbm>>)
      } else {
      }
      %add3A_520 = arith.constant 2 : i32
      %add3A_521 = arith.addi %add3A_514, %add3A_520 : i32
      %lt3A_522 = arith.constant 125 : i32
      %lt3A_523 = arith.cmpi slt, %add3A_521, %lt3A_522 : i32
      %convert_element_type3A_524 = arith.extui %lt3A_523 : i1 to i32
      %cond3A_525 = arith.constant 0 : i32
      %cond3A_526 = arith.cmpi ne, %convert_element_type3A_524, %cond3A_525 : i32
      scf.if %cond3A_526 {
        %add3A_615 = arith.constant 2 : i32
        %add3A_616 = arith.addi %add3A_514, %add3A_615 : i32
        %mul3A_617 = arith.constant 1 : i32
        %mul3A_618 = arith.muli %add3A_616, %mul3A_617 : i32
        %add3A_619 = arith.constant 0 : i32
        %add3A_620 = arith.addi %mul3A_618, %add3A_619 : i32
        %mul3A_621 = arith.constant 80 : i32
        %mul3A_622 = arith.muli %add3A_620, %mul3A_621 : i32
        %dma_start3A_623 = arith.constant 0 : i32
        %dma_start3A_624 = arith.constant 0 : i32
        %dma_start3A_625 = arith.constant 0 : i32
        %dma_start3A_626 = arith.constant 0 : i32
        %dma_start3A_627 = tpu.memref_slice %arg6[%dma_start3A_623, %dma_start3A_625, %dma_start3A_626] : memref<4x80x128xf32, #tpu.memory_space<vmem>> -> memref<1x80x128xf32, #tpu.memory_space<vmem>>
        %dma_start3A_628 = tpu.memref_squeeze %dma_start3A_627 : memref<1x80x128xf32, #tpu.memory_space<vmem>> -> memref<80x128xf32, #tpu.memory_space<vmem>>
        %dma_start3A_629 = arith.constant 0 : i32
        %dma_start3A_630 = arith.constant 0 : i32
        %dma_start3A_631 = tpu.memref_slice %dma_start3A_628[%dma_start3A_629, %dma_start3A_630] : memref<80x128xf32, #tpu.memory_space<vmem>> -> memref<80x128xf32, #tpu.memory_space<vmem>>
        %dma_start3A_632 = tpu.memref_slice %arg5[%mul3A_622] : memref<10000xi32, #tpu.memory_space<vmem>> -> memref<80xi32, #tpu.memory_space<vmem>>
        %dma_start3A_633 = arith.constant 0 : i32
        %dma_start3A_634 = arith.constant 0 : i32
        %dma_start3A_635 = tpu.memref_slice %arg7[%dma_start3A_633, %dma_start3A_634] : memref<10000x128xf32, #tpu.memory_space<vmem_shared>> -> memref<10000x128xf32, #tpu.memory_space<vmem_shared>>
        %dma_start3A_636 = tpu.memref_slice %arg8[%dma_start3A_624] : memref<4x!tpu.dma_semaphore, #tpu.memory_space<semaphore_mem>> -> memref<1x!tpu.dma_semaphore, #tpu.memory_space<semaphore_mem>>
        %dma_start3A_637 = tpu.memref_squeeze %dma_start3A_636 : memref<1x!tpu.dma_semaphore, #tpu.memory_space<semaphore_mem>> -> memref<!tpu.dma_semaphore, #tpu.memory_space<semaphore_mem>>
        tpu.enqueue_indirect_dma source(%dma_start3A_635 : memref<10000x128xf32, #tpu.memory_space<vmem_shared>>) target(%dma_start3A_631 : memref<80x128xf32, #tpu.memory_space<vmem>>) offsets(%dma_start3A_632 : memref<80xi32, #tpu.memory_space<vmem>>) semaphore(%dma_start3A_637 : memref<!tpu.dma_semaphore, #tpu.memory_space<semaphore_mem>>)
      } else {
      }
      %dma_wait3A_527 = arith.constant 2 : i32
      %dma_wait3A_528 = arith.constant 2 : i32
      %dma_wait3A_529 = arith.constant 0 : i32
      %dma_wait3A_530 = arith.constant 0 : i32
      %dma_wait3A_531 = tpu.memref_slice %arg6[%dma_wait3A_527, %dma_wait3A_529, %dma_wait3A_530] : memref<4x80x128xf32, #tpu.memory_space<vmem>> -> memref<1x80x128xf32, #tpu.memory_space<vmem>>
      %dma_wait3A_532 = tpu.memref_squeeze %dma_wait3A_531 : memref<1x80x128xf32, #tpu.memory_space<vmem>> -> memref<80x128xf32, #tpu.memory_space<vmem>>
      %dma_wait3A_533 = arith.constant 0 : i32
      %dma_wait3A_534 = arith.constant 0 : i32
      %dma_wait3A_535 = tpu.memref_slice %arg2[%dma_wait3A_533, %dma_wait3A_534] : memref<10000x128xf32, #tpu.memory_space<hbm>> -> memref<80x128xf32, #tpu.memory_space<hbm>>
      %dma_wait3A_536 = tpu.memref_slice %arg8[%dma_wait3A_528] : memref<4x!tpu.dma_semaphore, #tpu.memory_space<semaphore_mem>> -> memref<1x!tpu.dma_semaphore, #tpu.memory_space<semaphore_mem>>
      %dma_wait3A_537 = tpu.memref_squeeze %dma_wait3A_536 : memref<1x!tpu.dma_semaphore, #tpu.memory_space<semaphore_mem>> -> memref<!tpu.dma_semaphore, #tpu.memory_space<semaphore_mem>>
      %dma_wait3A_538 = arith.constant 0 : i32
      %dma_wait3A_539 = arith.constant 0 : i32
      %dma_wait3A_540 = tpu.memref_slice %arg6[%dma_wait3A_527, %dma_wait3A_538, %dma_wait3A_539] : memref<4x80x128xf32, #tpu.memory_space<vmem>> -> memref<1x80x128xf32, #tpu.memory_space<vmem>>
      %dma_wait3A_541 = tpu.memref_squeeze %dma_wait3A_540 : memref<1x80x128xf32, #tpu.memory_space<vmem>> -> memref<80x128xf32, #tpu.memory_space<vmem>>
      %dma_wait3A_542 = arith.constant 0 : i32
      %dma_wait3A_543 = arith.constant 0 : i32
      %dma_wait3A_544 = tpu.memref_slice %arg2[%dma_wait3A_542, %dma_wait3A_543] : memref<10000x128xf32, #tpu.memory_space<hbm>> -> memref<80x128xf32, #tpu.memory_space<hbm>>
      tpu.wait_dma2 semaphore(%dma_wait3A_537 : memref<!tpu.dma_semaphore, #tpu.memory_space<semaphore_mem>>) src(%dma_wait3A_544 : memref<80x128xf32, #tpu.memory_space<hbm>>) dst(%dma_wait3A_541 : memref<80x128xf32, #tpu.memory_space<vmem>>)
      %mul3A_545 = arith.constant 80 : i32
      %mul3A_546 = arith.muli %add3A_514, %mul3A_545 : i32
      %add3A_547 = arith.addi %mul3A_2, %mul3A_546 : i32
      %dma_start3A_548 = arith.constant 2 : i32
      %dma_start3A_549 = arith.constant 2 : i32
      %dma_start3A_550 = arith.constant 0 : i32
      %dma_start3A_551 = arith.constant 0 : i32
      %dma_start3A_552 = tpu.memref_slice %arg6[%dma_start3A_548, %dma_start3A_550, %dma_start3A_551] : memref<4x80x128xf32, #tpu.memory_space<vmem>> -> memref<1x80x128xf32, #tpu.memory_space<vmem>>
      %dma_start3A_553 = tpu.memref_squeeze %dma_start3A_552 : memref<1x80x128xf32, #tpu.memory_space<vmem>> -> memref<80x128xf32, #tpu.memory_space<vmem>>
      %dma_start3A_554 = arith.constant 0 : i32
      %dma_start3A_555 = tpu.memref_slice %arg4[%add3A_547, %dma_start3A_554] : memref<320000x128xf32, #tpu.memory_space<hbm>> -> memref<80x128xf32, #tpu.memory_space<hbm>>
      %dma_start3A_556 = tpu.memref_slice %arg9[%dma_start3A_549] : memref<4x!tpu.dma_semaphore, #tpu.memory_space<semaphore_mem>> -> memref<1x!tpu.dma_semaphore, #tpu.memory_space<semaphore_mem>>
      %dma_start3A_557 = tpu.memref_squeeze %dma_start3A_556 : memref<1x!tpu.dma_semaphore, #tpu.memory_space<semaphore_mem>> -> memref<!tpu.dma_semaphore, #tpu.memory_space<semaphore_mem>>
      %dma_start3A_558 = arith.constant 0 : i32
      %dma_start3A_559 = tpu.memref_slice %arg4[%add3A_547, %dma_start3A_558] : memref<320000x128xf32, #tpu.memory_space<hbm>> -> memref<80x128xf32, #tpu.memory_space<hbm>>
      %dma_start3A_560 = arith.constant 0 : i32
      %dma_start3A_561 = arith.constant 0 : i32
      %dma_start3A_562 = tpu.memref_slice %arg6[%dma_start3A_548, %dma_start3A_560, %dma_start3A_561] : memref<4x80x128xf32, #tpu.memory_space<vmem>> -> memref<1x80x128xf32, #tpu.memory_space<vmem>>
      %dma_start3A_563 = tpu.memref_squeeze %dma_start3A_562 : memref<1x80x128xf32, #tpu.memory_space<vmem>> -> memref<80x128xf32, #tpu.memory_space<vmem>>
      tpu.enqueue_dma source(%dma_start3A_563 : memref<80x128xf32, #tpu.memory_space<vmem>>) target(%dma_start3A_559 : memref<80x128xf32, #tpu.memory_space<hbm>>) target_semaphore(%dma_start3A_557 : memref<!tpu.dma_semaphore, #tpu.memory_space<semaphore_mem>>)
      %add3A_564 = arith.constant 3 : i32
      %add3A_565 = arith.addi %add3A_411, %add3A_564 : i32
      %gt3A_566 = arith.constant 1 : i32
      %gt3A_567 = arith.cmpi sgt, %add3A_565, %gt3A_566 : i32
      %convert_element_type3A_568 = arith.extui %gt3A_567 : i1 to i32
      %cond3A_569 = arith.constant 0 : i32
      %cond3A_570 = arith.cmpi ne, %convert_element_type3A_568, %cond3A_569 : i32
      scf.if %cond3A_570 {
        %sub3A = arith.constant 2 : i32
        %sub3A_615 = arith.subi %add3A_565, %sub3A : i32
        %mul3A_616 = arith.constant 80 : i32
        %mul3A_617 = arith.muli %sub3A_615, %mul3A_616 : i32
        %add3A_618 = arith.addi %mul3A_2, %mul3A_617 : i32
        %dma_wait3A_619 = arith.constant 1 : i32
        %dma_wait3A_620 = arith.constant 1 : i32
        %dma_wait3A_621 = arith.constant 0 : i32
        %dma_wait3A_622 = arith.constant 0 : i32
        %dma_wait3A_623 = tpu.memref_slice %arg6[%dma_wait3A_619, %dma_wait3A_621, %dma_wait3A_622] : memref<4x80x128xf32, #tpu.memory_space<vmem>> -> memref<1x80x128xf32, #tpu.memory_space<vmem>>
        %dma_wait3A_624 = tpu.memref_squeeze %dma_wait3A_623 : memref<1x80x128xf32, #tpu.memory_space<vmem>> -> memref<80x128xf32, #tpu.memory_space<vmem>>
        %dma_wait3A_625 = arith.constant 0 : i32
        %dma_wait3A_626 = tpu.memref_slice %arg4[%add3A_618, %dma_wait3A_625] : memref<320000x128xf32, #tpu.memory_space<hbm>> -> memref<80x128xf32, #tpu.memory_space<hbm>>
        %dma_wait3A_627 = tpu.memref_slice %arg9[%dma_wait3A_620] : memref<4x!tpu.dma_semaphore, #tpu.memory_space<semaphore_mem>> -> memref<1x!tpu.dma_semaphore, #tpu.memory_space<semaphore_mem>>
        %dma_wait3A_628 = tpu.memref_squeeze %dma_wait3A_627 : memref<1x!tpu.dma_semaphore, #tpu.memory_space<semaphore_mem>> -> memref<!tpu.dma_semaphore, #tpu.memory_space<semaphore_mem>>
        %dma_wait3A_629 = arith.constant 0 : i32
        %dma_wait3A_630 = tpu.memref_slice %arg4[%add3A_618, %dma_wait3A_629] : memref<320000x128xf32, #tpu.memory_space<hbm>> -> memref<80x128xf32, #tpu.memory_space<hbm>>
        %dma_wait3A_631 = arith.constant 0 : i32
        %dma_wait3A_632 = arith.constant 0 : i32
        %dma_wait3A_633 = tpu.memref_slice %arg6[%dma_wait3A_619, %dma_wait3A_631, %dma_wait3A_632] : memref<4x80x128xf32, #tpu.memory_space<vmem>> -> memref<1x80x128xf32, #tpu.memory_space<vmem>>
        %dma_wait3A_634 = tpu.memref_squeeze %dma_wait3A_633 : memref<1x80x128xf32, #tpu.memory_space<vmem>> -> memref<80x128xf32, #tpu.memory_space<vmem>>
        tpu.wait_dma2 semaphore(%dma_wait3A_628 : memref<!tpu.dma_semaphore, #tpu.memory_space<semaphore_mem>>) src(%dma_wait3A_634 : memref<80x128xf32, #tpu.memory_space<vmem>>) dst(%dma_wait3A_630 : memref<80x128xf32, #tpu.memory_space<hbm>>)
      } else {
      }
      %add3A_571 = arith.constant 2 : i32
      %add3A_572 = arith.addi %add3A_565, %add3A_571 : i32
      %lt3A_573 = arith.constant 125 : i32
      %lt3A_574 = arith.cmpi slt, %add3A_572, %lt3A_573 : i32
      %convert_element_type3A_575 = arith.extui %lt3A_574 : i1 to i32
      %cond3A_576 = arith.constant 0 : i32
      %cond3A_577 = arith.cmpi ne, %convert_element_type3A_575, %cond3A_576 : i32
      scf.if %cond3A_577 {
        %add3A_615 = arith.constant 2 : i32
        %add3A_616 = arith.addi %add3A_565, %add3A_615 : i32
        %mul3A_617 = arith.constant 1 : i32
        %mul3A_618 = arith.muli %add3A_616, %mul3A_617 : i32
        %add3A_619 = arith.constant 0 : i32
        %add3A_620 = arith.addi %mul3A_618, %add3A_619 : i32
        %mul3A_621 = arith.constant 80 : i32
        %mul3A_622 = arith.muli %add3A_620, %mul3A_621 : i32
        %dma_start3A_623 = arith.constant 1 : i32
        %dma_start3A_624 = arith.constant 1 : i32
        %dma_start3A_625 = arith.constant 0 : i32
        %dma_start3A_626 = arith.constant 0 : i32
        %dma_start3A_627 = tpu.memref_slice %arg6[%dma_start3A_623, %dma_start3A_625, %dma_start3A_626] : memref<4x80x128xf32, #tpu.memory_space<vmem>> -> memref<1x80x128xf32, #tpu.memory_space<vmem>>
        %dma_start3A_628 = tpu.memref_squeeze %dma_start3A_627 : memref<1x80x128xf32, #tpu.memory_space<vmem>> -> memref<80x128xf32, #tpu.memory_space<vmem>>
        %dma_start3A_629 = arith.constant 0 : i32
        %dma_start3A_630 = arith.constant 0 : i32
        %dma_start3A_631 = tpu.memref_slice %dma_start3A_628[%dma_start3A_629, %dma_start3A_630] : memref<80x128xf32, #tpu.memory_space<vmem>> -> memref<80x128xf32, #tpu.memory_space<vmem>>
        %dma_start3A_632 = tpu.memref_slice %arg5[%mul3A_622] : memref<10000xi32, #tpu.memory_space<vmem>> -> memref<80xi32, #tpu.memory_space<vmem>>
        %dma_start3A_633 = arith.constant 0 : i32
        %dma_start3A_634 = arith.constant 0 : i32
        %dma_start3A_635 = tpu.memref_slice %arg7[%dma_start3A_633, %dma_start3A_634] : memref<10000x128xf32, #tpu.memory_space<vmem_shared>> -> memref<10000x128xf32, #tpu.memory_space<vmem_shared>>
        %dma_start3A_636 = tpu.memref_slice %arg8[%dma_start3A_624] : memref<4x!tpu.dma_semaphore, #tpu.memory_space<semaphore_mem>> -> memref<1x!tpu.dma_semaphore, #tpu.memory_space<semaphore_mem>>
        %dma_start3A_637 = tpu.memref_squeeze %dma_start3A_636 : memref<1x!tpu.dma_semaphore, #tpu.memory_space<semaphore_mem>> -> memref<!tpu.dma_semaphore, #tpu.memory_space<semaphore_mem>>
        tpu.enqueue_indirect_dma source(%dma_start3A_635 : memref<10000x128xf32, #tpu.memory_space<vmem_shared>>) target(%dma_start3A_631 : memref<80x128xf32, #tpu.memory_space<vmem>>) offsets(%dma_start3A_632 : memref<80xi32, #tpu.memory_space<vmem>>) semaphore(%dma_start3A_637 : memref<!tpu.dma_semaphore, #tpu.memory_space<semaphore_mem>>)
      } else {
      }
      %dma_wait3A_578 = arith.constant 3 : i32
      %dma_wait3A_579 = arith.constant 3 : i32
      %dma_wait3A_580 = arith.constant 0 : i32
      %dma_wait3A_581 = arith.constant 0 : i32
      %dma_wait3A_582 = tpu.memref_slice %arg6[%dma_wait3A_578, %dma_wait3A_580, %dma_wait3A_581] : memref<4x80x128xf32, #tpu.memory_space<vmem>> -> memref<1x80x128xf32, #tpu.memory_space<vmem>>
      %dma_wait3A_583 = tpu.memref_squeeze %dma_wait3A_582 : memref<1x80x128xf32, #tpu.memory_space<vmem>> -> memref<80x128xf32, #tpu.memory_space<vmem>>
      %dma_wait3A_584 = arith.constant 0 : i32
      %dma_wait3A_585 = arith.constant 0 : i32
      %dma_wait3A_586 = tpu.memref_slice %arg2[%dma_wait3A_584, %dma_wait3A_585] : memref<10000x128xf32, #tpu.memory_space<hbm>> -> memref<80x128xf32, #tpu.memory_space<hbm>>
      %dma_wait3A_587 = tpu.memref_slice %arg8[%dma_wait3A_579] : memref<4x!tpu.dma_semaphore, #tpu.memory_space<semaphore_mem>> -> memref<1x!tpu.dma_semaphore, #tpu.memory_space<semaphore_mem>>
      %dma_wait3A_588 = tpu.memref_squeeze %dma_wait3A_587 : memref<1x!tpu.dma_semaphore, #tpu.memory_space<semaphore_mem>> -> memref<!tpu.dma_semaphore, #tpu.memory_space<semaphore_mem>>
      %dma_wait3A_589 = arith.constant 0 : i32
      %dma_wait3A_590 = arith.constant 0 : i32
      %dma_wait3A_591 = tpu.memref_slice %arg6[%dma_wait3A_578, %dma_wait3A_589, %dma_wait3A_590] : memref<4x80x128xf32, #tpu.memory_space<vmem>> -> memref<1x80x128xf32, #tpu.memory_space<vmem>>
      %dma_wait3A_592 = tpu.memref_squeeze %dma_wait3A_591 : memref<1x80x128xf32, #tpu.memory_space<vmem>> -> memref<80x128xf32, #tpu.memory_space<vmem>>
      %dma_wait3A_593 = arith.constant 0 : i32
      %dma_wait3A_594 = arith.constant 0 : i32
      %dma_wait3A_595 = tpu.memref_slice %arg2[%dma_wait3A_593, %dma_wait3A_594] : memref<10000x128xf32, #tpu.memory_space<hbm>> -> memref<80x128xf32, #tpu.memory_space<hbm>>
      tpu.wait_dma2 semaphore(%dma_wait3A_588 : memref<!tpu.dma_semaphore, #tpu.memory_space<semaphore_mem>>) src(%dma_wait3A_595 : memref<80x128xf32, #tpu.memory_space<hbm>>) dst(%dma_wait3A_592 : memref<80x128xf32, #tpu.memory_space<vmem>>)
      %mul3A_596 = arith.constant 80 : i32
      %mul3A_597 = arith.muli %add3A_565, %mul3A_596 : i32
      %add3A_598 = arith.addi %mul3A_2, %mul3A_597 : i32
      %dma_start3A_599 = arith.constant 3 : i32
      %dma_start3A_600 = arith.constant 3 : i32
      %dma_start3A_601 = arith.constant 0 : i32
      %dma_start3A_602 = arith.constant 0 : i32
      %dma_start3A_603 = tpu.memref_slice %arg6[%dma_start3A_599, %dma_start3A_601, %dma_start3A_602] : memref<4x80x128xf32, #tpu.memory_space<vmem>> -> memref<1x80x128xf32, #tpu.memory_space<vmem>>
      %dma_start3A_604 = tpu.memref_squeeze %dma_start3A_603 : memref<1x80x128xf32, #tpu.memory_space<vmem>> -> memref<80x128xf32, #tpu.memory_space<vmem>>
      %dma_start3A_605 = arith.constant 0 : i32
      %dma_start3A_606 = tpu.memref_slice %arg4[%add3A_598, %dma_start3A_605] : memref<320000x128xf32, #tpu.memory_space<hbm>> -> memref<80x128xf32, #tpu.memory_space<hbm>>
      %dma_start3A_607 = tpu.memref_slice %arg9[%dma_start3A_600] : memref<4x!tpu.dma_semaphore, #tpu.memory_space<semaphore_mem>> -> memref<1x!tpu.dma_semaphore, #tpu.memory_space<semaphore_mem>>
      %dma_start3A_608 = tpu.memref_squeeze %dma_start3A_607 : memref<1x!tpu.dma_semaphore, #tpu.memory_space<semaphore_mem>> -> memref<!tpu.dma_semaphore, #tpu.memory_space<semaphore_mem>>
      %dma_start3A_609 = arith.constant 0 : i32
      %dma_start3A_610 = tpu.memref_slice %arg4[%add3A_598, %dma_start3A_609] : memref<320000x128xf32, #tpu.memory_space<hbm>> -> memref<80x128xf32, #tpu.memory_space<hbm>>
      %dma_start3A_611 = arith.constant 0 : i32
      %dma_start3A_612 = arith.constant 0 : i32
      %dma_start3A_613 = tpu.memref_slice %arg6[%dma_start3A_599, %dma_start3A_611, %dma_start3A_612] : memref<4x80x128xf32, #tpu.memory_space<vmem>> -> memref<1x80x128xf32, #tpu.memory_space<vmem>>
      %dma_start3A_614 = tpu.memref_squeeze %dma_start3A_613 : memref<1x80x128xf32, #tpu.memory_space<vmem>> -> memref<80x128xf32, #tpu.memory_space<vmem>>
      tpu.enqueue_dma source(%dma_start3A_614 : memref<80x128xf32, #tpu.memory_space<vmem>>) target(%dma_start3A_610 : memref<80x128xf32, #tpu.memory_space<hbm>>) target_semaphore(%dma_start3A_608 : memref<!tpu.dma_semaphore, #tpu.memory_space<semaphore_mem>>)
    }
    %scan3A_53 = arith.constant 30 : i32
    %add3A_54 = arith.constant 9440 : i32
    %add3A_55 = arith.addi %mul3A_2, %add3A_54 : i32
    %dma_wait3A = arith.constant 2 : i32
    %dma_wait3A_56 = arith.constant 2 : i32
    %dma_wait3A_57 = arith.constant 0 : i32
    %dma_wait3A_58 = arith.constant 0 : i32
    %dma_wait3A_59 = tpu.memref_slice %arg6[%dma_wait3A, %dma_wait3A_57, %dma_wait3A_58] : memref<4x80x128xf32, #tpu.memory_space<vmem>> -> memref<1x80x128xf32, #tpu.memory_space<vmem>>
    %dma_wait3A_60 = tpu.memref_squeeze %dma_wait3A_59 : memref<1x80x128xf32, #tpu.memory_space<vmem>> -> memref<80x128xf32, #tpu.memory_space<vmem>>
    %dma_wait3A_61 = arith.constant 0 : i32
    %dma_wait3A_62 = tpu.memref_slice %arg4[%add3A_55, %dma_wait3A_61] : memref<320000x128xf32, #tpu.memory_space<hbm>> -> memref<80x128xf32, #tpu.memory_space<hbm>>
    %dma_wait3A_63 = tpu.memref_slice %arg9[%dma_wait3A_56] : memref<4x!tpu.dma_semaphore, #tpu.memory_space<semaphore_mem>> -> memref<1x!tpu.dma_semaphore, #tpu.memory_space<semaphore_mem>>
    %dma_wait3A_64 = tpu.memref_squeeze %dma_wait3A_63 : memref<1x!tpu.dma_semaphore, #tpu.memory_space<semaphore_mem>> -> memref<!tpu.dma_semaphore, #tpu.memory_space<semaphore_mem>>
    %dma_wait3A_65 = arith.constant 0 : i32
    %dma_wait3A_66 = tpu.memref_slice %arg4[%add3A_55, %dma_wait3A_65] : memref<320000x128xf32, #tpu.memory_space<hbm>> -> memref<80x128xf32, #tpu.memory_space<hbm>>
    %dma_wait3A_67 = arith.constant 0 : i32
    %dma_wait3A_68 = arith.constant 0 : i32
    %dma_wait3A_69 = tpu.memref_slice %arg6[%dma_wait3A, %dma_wait3A_67, %dma_wait3A_68] : memref<4x80x128xf32, #tpu.memory_space<vmem>> -> memref<1x80x128xf32, #tpu.memory_space<vmem>>
    %dma_wait3A_70 = tpu.memref_squeeze %dma_wait3A_69 : memref<1x80x128xf32, #tpu.memory_space<vmem>> -> memref<80x128xf32, #tpu.memory_space<vmem>>
    tpu.wait_dma2 semaphore(%dma_wait3A_64 : memref<!tpu.dma_semaphore, #tpu.memory_space<semaphore_mem>>) src(%dma_wait3A_70 : memref<80x128xf32, #tpu.memory_space<vmem>>) dst(%dma_wait3A_66 : memref<80x128xf32, #tpu.memory_space<hbm>>)
    %dma_start3A_71 = arith.constant 2 : i32
    %dma_start3A_72 = arith.constant 2 : i32
    %dma_start3A_73 = arith.constant 0 : i32
    %dma_start3A_74 = arith.constant 0 : i32
    %dma_start3A_75 = tpu.memref_slice %arg6[%dma_start3A_71, %dma_start3A_73, %dma_start3A_74] : memref<4x80x128xf32, #tpu.memory_space<vmem>> -> memref<1x80x128xf32, #tpu.memory_space<vmem>>
    %dma_start3A_76 = tpu.memref_squeeze %dma_start3A_75 : memref<1x80x128xf32, #tpu.memory_space<vmem>> -> memref<80x128xf32, #tpu.memory_space<vmem>>
    %dma_start3A_77 = arith.constant 0 : i32
    %dma_start3A_78 = arith.constant 0 : i32
    %dma_start3A_79 = tpu.memref_slice %dma_start3A_76[%dma_start3A_77, %dma_start3A_78] : memref<80x128xf32, #tpu.memory_space<vmem>> -> memref<80x128xf32, #tpu.memory_space<vmem>>
    %dma_start3A_80 = arith.constant 9760 : i32
    %dma_start3A_81 = tpu.memref_slice %arg5[%dma_start3A_80] : memref<10000xi32, #tpu.memory_space<vmem>> -> memref<80xi32, #tpu.memory_space<vmem>>
    %dma_start3A_82 = arith.constant 0 : i32
    %dma_start3A_83 = arith.constant 0 : i32
    %dma_start3A_84 = tpu.memref_slice %arg7[%dma_start3A_82, %dma_start3A_83] : memref<10000x128xf32, #tpu.memory_space<vmem_shared>> -> memref<10000x128xf32, #tpu.memory_space<vmem_shared>>
    %dma_start3A_85 = tpu.memref_slice %arg8[%dma_start3A_72] : memref<4x!tpu.dma_semaphore, #tpu.memory_space<semaphore_mem>> -> memref<1x!tpu.dma_semaphore, #tpu.memory_space<semaphore_mem>>
    %dma_start3A_86 = tpu.memref_squeeze %dma_start3A_85 : memref<1x!tpu.dma_semaphore, #tpu.memory_space<semaphore_mem>> -> memref<!tpu.dma_semaphore, #tpu.memory_space<semaphore_mem>>
    tpu.enqueue_indirect_dma source(%dma_start3A_84 : memref<10000x128xf32, #tpu.memory_space<vmem_shared>>) target(%dma_start3A_79 : memref<80x128xf32, #tpu.memory_space<vmem>>) offsets(%dma_start3A_81 : memref<80xi32, #tpu.memory_space<vmem>>) semaphore(%dma_start3A_86 : memref<!tpu.dma_semaphore, #tpu.memory_space<semaphore_mem>>)
    %dma_wait3A_87 = arith.constant 0 : i32
    %dma_wait3A_88 = arith.constant 0 : i32
    %dma_wait3A_89 = arith.constant 0 : i32
    %dma_wait3A_90 = arith.constant 0 : i32
    %dma_wait3A_91 = tpu.memref_slice %arg6[%dma_wait3A_87, %dma_wait3A_89, %dma_wait3A_90] : memref<4x80x128xf32, #tpu.memory_space<vmem>> -> memref<1x80x128xf32, #tpu.memory_space<vmem>>
    %dma_wait3A_92 = tpu.memref_squeeze %dma_wait3A_91 : memref<1x80x128xf32, #tpu.memory_space<vmem>> -> memref<80x128xf32, #tpu.memory_space<vmem>>
    %dma_wait3A_93 = arith.constant 0 : i32
    %dma_wait3A_94 = arith.constant 0 : i32
    %dma_wait3A_95 = tpu.memref_slice %arg2[%dma_wait3A_93, %dma_wait3A_94] : memref<10000x128xf32, #tpu.memory_space<hbm>> -> memref<80x128xf32, #tpu.memory_space<hbm>>
    %dma_wait3A_96 = tpu.memref_slice %arg8[%dma_wait3A_88] : memref<4x!tpu.dma_semaphore, #tpu.memory_space<semaphore_mem>> -> memref<1x!tpu.dma_semaphore, #tpu.memory_space<semaphore_mem>>
    %dma_wait3A_97 = tpu.memref_squeeze %dma_wait3A_96 : memref<1x!tpu.dma_semaphore, #tpu.memory_space<semaphore_mem>> -> memref<!tpu.dma_semaphore, #tpu.memory_space<semaphore_mem>>
    %dma_wait3A_98 = arith.constant 0 : i32
    %dma_wait3A_99 = arith.constant 0 : i32
    %dma_wait3A_100 = tpu.memref_slice %arg6[%dma_wait3A_87, %dma_wait3A_98, %dma_wait3A_99] : memref<4x80x128xf32, #tpu.memory_space<vmem>> -> memref<1x80x128xf32, #tpu.memory_space<vmem>>
    %dma_wait3A_101 = tpu.memref_squeeze %dma_wait3A_100 : memref<1x80x128xf32, #tpu.memory_space<vmem>> -> memref<80x128xf32, #tpu.memory_space<vmem>>
    %dma_wait3A_102 = arith.constant 0 : i32
    %dma_wait3A_103 = arith.constant 0 : i32
    %dma_wait3A_104 = tpu.memref_slice %arg2[%dma_wait3A_102, %dma_wait3A_103] : memref<10000x128xf32, #tpu.memory_space<hbm>> -> memref<80x128xf32, #tpu.memory_space<hbm>>
    tpu.wait_dma2 semaphore(%dma_wait3A_97 : memref<!tpu.dma_semaphore, #tpu.memory_space<semaphore_mem>>) src(%dma_wait3A_104 : memref<80x128xf32, #tpu.memory_space<hbm>>) dst(%dma_wait3A_101 : memref<80x128xf32, #tpu.memory_space<vmem>>)
    %add3A_105 = arith.constant 9600 : i32
    %add3A_106 = arith.addi %mul3A_2, %add3A_105 : i32
    %dma_start3A_107 = arith.constant 0 : i32
    %dma_start3A_108 = arith.constant 0 : i32
    %dma_start3A_109 = arith.constant 0 : i32
    %dma_start3A_110 = arith.constant 0 : i32
    %dma_start3A_111 = tpu.memref_slice %arg6[%dma_start3A_107, %dma_start3A_109, %dma_start3A_110] : memref<4x80x128xf32, #tpu.memory_space<vmem>> -> memref<1x80x128xf32, #tpu.memory_space<vmem>>
    %dma_start3A_112 = tpu.memref_squeeze %dma_start3A_111 : memref<1x80x128xf32, #tpu.memory_space<vmem>> -> memref<80x128xf32, #tpu.memory_space<vmem>>
    %dma_start3A_113 = arith.constant 0 : i32
    %dma_start3A_114 = tpu.memref_slice %arg4[%add3A_106, %dma_start3A_113] : memref<320000x128xf32, #tpu.memory_space<hbm>> -> memref<80x128xf32, #tpu.memory_space<hbm>>
    %dma_start3A_115 = tpu.memref_slice %arg9[%dma_start3A_108] : memref<4x!tpu.dma_semaphore, #tpu.memory_space<semaphore_mem>> -> memref<1x!tpu.dma_semaphore, #tpu.memory_space<semaphore_mem>>
    %dma_start3A_116 = tpu.memref_squeeze %dma_start3A_115 : memref<1x!tpu.dma_semaphore, #tpu.memory_space<semaphore_mem>> -> memref<!tpu.dma_semaphore, #tpu.memory_space<semaphore_mem>>
    %dma_start3A_117 = arith.constant 0 : i32
    %dma_start3A_118 = tpu.memref_slice %arg4[%add3A_106, %dma_start3A_117] : memref<320000x128xf32, #tpu.memory_space<hbm>> -> memref<80x128xf32, #tpu.memory_space<hbm>>
    %dma_start3A_119 = arith.constant 0 : i32
    %dma_start3A_120 = arith.constant 0 : i32
    %dma_start3A_121 = tpu.memref_slice %arg6[%dma_start3A_107, %dma_start3A_119, %dma_start3A_120] : memref<4x80x128xf32, #tpu.memory_space<vmem>> -> memref<1x80x128xf32, #tpu.memory_space<vmem>>
    %dma_start3A_122 = tpu.memref_squeeze %dma_start3A_121 : memref<1x80x128xf32, #tpu.memory_space<vmem>> -> memref<80x128xf32, #tpu.memory_space<vmem>>
    tpu.enqueue_dma source(%dma_start3A_122 : memref<80x128xf32, #tpu.memory_space<vmem>>) target(%dma_start3A_118 : memref<80x128xf32, #tpu.memory_space<hbm>>) target_semaphore(%dma_start3A_116 : memref<!tpu.dma_semaphore, #tpu.memory_space<semaphore_mem>>)
    %add3A_123 = arith.constant 9520 : i32
    %add3A_124 = arith.addi %mul3A_2, %add3A_123 : i32
    %dma_wait3A_125 = arith.constant 3 : i32
    %dma_wait3A_126 = arith.constant 3 : i32
    %dma_wait3A_127 = arith.constant 0 : i32
    %dma_wait3A_128 = arith.constant 0 : i32
    %dma_wait3A_129 = tpu.memref_slice %arg6[%dma_wait3A_125, %dma_wait3A_127, %dma_wait3A_128] : memref<4x80x128xf32, #tpu.memory_space<vmem>> -> memref<1x80x128xf32, #tpu.memory_space<vmem>>
    %dma_wait3A_130 = tpu.memref_squeeze %dma_wait3A_129 : memref<1x80x128xf32, #tpu.memory_space<vmem>> -> memref<80x128xf32, #tpu.memory_space<vmem>>
    %dma_wait3A_131 = arith.constant 0 : i32
    %dma_wait3A_132 = tpu.memref_slice %arg4[%add3A_124, %dma_wait3A_131] : memref<320000x128xf32, #tpu.memory_space<hbm>> -> memref<80x128xf32, #tpu.memory_space<hbm>>
    %dma_wait3A_133 = tpu.memref_slice %arg9[%dma_wait3A_126] : memref<4x!tpu.dma_semaphore, #tpu.memory_space<semaphore_mem>> -> memref<1x!tpu.dma_semaphore, #tpu.memory_space<semaphore_mem>>
    %dma_wait3A_134 = tpu.memref_squeeze %dma_wait3A_133 : memref<1x!tpu.dma_semaphore, #tpu.memory_space<semaphore_mem>> -> memref<!tpu.dma_semaphore, #tpu.memory_space<semaphore_mem>>
    %dma_wait3A_135 = arith.constant 0 : i32
    %dma_wait3A_136 = tpu.memref_slice %arg4[%add3A_124, %dma_wait3A_135] : memref<320000x128xf32, #tpu.memory_space<hbm>> -> memref<80x128xf32, #tpu.memory_space<hbm>>
    %dma_wait3A_137 = arith.constant 0 : i32
    %dma_wait3A_138 = arith.constant 0 : i32
    %dma_wait3A_139 = tpu.memref_slice %arg6[%dma_wait3A_125, %dma_wait3A_137, %dma_wait3A_138] : memref<4x80x128xf32, #tpu.memory_space<vmem>> -> memref<1x80x128xf32, #tpu.memory_space<vmem>>
    %dma_wait3A_140 = tpu.memref_squeeze %dma_wait3A_139 : memref<1x80x128xf32, #tpu.memory_space<vmem>> -> memref<80x128xf32, #tpu.memory_space<vmem>>
    tpu.wait_dma2 semaphore(%dma_wait3A_134 : memref<!tpu.dma_semaphore, #tpu.memory_space<semaphore_mem>>) src(%dma_wait3A_140 : memref<80x128xf32, #tpu.memory_space<vmem>>) dst(%dma_wait3A_136 : memref<80x128xf32, #tpu.memory_space<hbm>>)
    %dma_start3A_141 = arith.constant 3 : i32
    %dma_start3A_142 = arith.constant 3 : i32
    %dma_start3A_143 = arith.constant 0 : i32
    %dma_start3A_144 = arith.constant 0 : i32
    %dma_start3A_145 = tpu.memref_slice %arg6[%dma_start3A_141, %dma_start3A_143, %dma_start3A_144] : memref<4x80x128xf32, #tpu.memory_space<vmem>> -> memref<1x80x128xf32, #tpu.memory_space<vmem>>
    %dma_start3A_146 = tpu.memref_squeeze %dma_start3A_145 : memref<1x80x128xf32, #tpu.memory_space<vmem>> -> memref<80x128xf32, #tpu.memory_space<vmem>>
    %dma_start3A_147 = arith.constant 0 : i32
    %dma_start3A_148 = arith.constant 0 : i32
    %dma_start3A_149 = tpu.memref_slice %dma_start3A_146[%dma_start3A_147, %dma_start3A_148] : memref<80x128xf32, #tpu.memory_space<vmem>> -> memref<80x128xf32, #tpu.memory_space<vmem>>
    %dma_start3A_150 = arith.constant 9840 : i32
    %dma_start3A_151 = tpu.memref_slice %arg5[%dma_start3A_150] : memref<10000xi32, #tpu.memory_space<vmem>> -> memref<80xi32, #tpu.memory_space<vmem>>
    %dma_start3A_152 = arith.constant 0 : i32
    %dma_start3A_153 = arith.constant 0 : i32
    %dma_start3A_154 = tpu.memref_slice %arg7[%dma_start3A_152, %dma_start3A_153] : memref<10000x128xf32, #tpu.memory_space<vmem_shared>> -> memref<10000x128xf32, #tpu.memory_space<vmem_shared>>
    %dma_start3A_155 = tpu.memref_slice %arg8[%dma_start3A_142] : memref<4x!tpu.dma_semaphore, #tpu.memory_space<semaphore_mem>> -> memref<1x!tpu.dma_semaphore, #tpu.memory_space<semaphore_mem>>
    %dma_start3A_156 = tpu.memref_squeeze %dma_start3A_155 : memref<1x!tpu.dma_semaphore, #tpu.memory_space<semaphore_mem>> -> memref<!tpu.dma_semaphore, #tpu.memory_space<semaphore_mem>>
    tpu.enqueue_indirect_dma source(%dma_start3A_154 : memref<10000x128xf32, #tpu.memory_space<vmem_shared>>) target(%dma_start3A_149 : memref<80x128xf32, #tpu.memory_space<vmem>>) offsets(%dma_start3A_151 : memref<80xi32, #tpu.memory_space<vmem>>) semaphore(%dma_start3A_156 : memref<!tpu.dma_semaphore, #tpu.memory_space<semaphore_mem>>)
    %dma_wait3A_157 = arith.constant 1 : i32
    %dma_wait3A_158 = arith.constant 1 : i32
    %dma_wait3A_159 = arith.constant 0 : i32
    %dma_wait3A_160 = arith.constant 0 : i32
    %dma_wait3A_161 = tpu.memref_slice %arg6[%dma_wait3A_157, %dma_wait3A_159, %dma_wait3A_160] : memref<4x80x128xf32, #tpu.memory_space<vmem>> -> memref<1x80x128xf32, #tpu.memory_space<vmem>>
    %dma_wait3A_162 = tpu.memref_squeeze %dma_wait3A_161 : memref<1x80x128xf32, #tpu.memory_space<vmem>> -> memref<80x128xf32, #tpu.memory_space<vmem>>
    %dma_wait3A_163 = arith.constant 0 : i32
    %dma_wait3A_164 = arith.constant 0 : i32
    %dma_wait3A_165 = tpu.memref_slice %arg2[%dma_wait3A_163, %dma_wait3A_164] : memref<10000x128xf32, #tpu.memory_space<hbm>> -> memref<80x128xf32, #tpu.memory_space<hbm>>
    %dma_wait3A_166 = tpu.memref_slice %arg8[%dma_wait3A_158] : memref<4x!tpu.dma_semaphore, #tpu.memory_space<semaphore_mem>> -> memref<1x!tpu.dma_semaphore, #tpu.memory_space<semaphore_mem>>
    %dma_wait3A_167 = tpu.memref_squeeze %dma_wait3A_166 : memref<1x!tpu.dma_semaphore, #tpu.memory_space<semaphore_mem>> -> memref<!tpu.dma_semaphore, #tpu.memory_space<semaphore_mem>>
    %dma_wait3A_168 = arith.constant 0 : i32
    %dma_wait3A_169 = arith.constant 0 : i32
    %dma_wait3A_170 = tpu.memref_slice %arg6[%dma_wait3A_157, %dma_wait3A_168, %dma_wait3A_169] : memref<4x80x128xf32, #tpu.memory_space<vmem>> -> memref<1x80x128xf32, #tpu.memory_space<vmem>>
    %dma_wait3A_171 = tpu.memref_squeeze %dma_wait3A_170 : memref<1x80x128xf32, #tpu.memory_space<vmem>> -> memref<80x128xf32, #tpu.memory_space<vmem>>
    %dma_wait3A_172 = arith.constant 0 : i32
    %dma_wait3A_173 = arith.constant 0 : i32
    %dma_wait3A_174 = tpu.memref_slice %arg2[%dma_wait3A_172, %dma_wait3A_173] : memref<10000x128xf32, #tpu.memory_space<hbm>> -> memref<80x128xf32, #tpu.memory_space<hbm>>
    tpu.wait_dma2 semaphore(%dma_wait3A_167 : memref<!tpu.dma_semaphore, #tpu.memory_space<semaphore_mem>>) src(%dma_wait3A_174 : memref<80x128xf32, #tpu.memory_space<hbm>>) dst(%dma_wait3A_171 : memref<80x128xf32, #tpu.memory_space<vmem>>)
    %add3A_175 = arith.constant 9680 : i32
    %add3A_176 = arith.addi %mul3A_2, %add3A_175 : i32
    %dma_start3A_177 = arith.constant 1 : i32
    %dma_start3A_178 = arith.constant 1 : i32
    %dma_start3A_179 = arith.constant 0 : i32
    %dma_start3A_180 = arith.constant 0 : i32
    %dma_start3A_181 = tpu.memref_slice %arg6[%dma_start3A_177, %dma_start3A_179, %dma_start3A_180] : memref<4x80x128xf32, #tpu.memory_space<vmem>> -> memref<1x80x128xf32, #tpu.memory_space<vmem>>
    %dma_start3A_182 = tpu.memref_squeeze %dma_start3A_181 : memref<1x80x128xf32, #tpu.memory_space<vmem>> -> memref<80x128xf32, #tpu.memory_space<vmem>>
    %dma_start3A_183 = arith.constant 0 : i32
    %dma_start3A_184 = tpu.memref_slice %arg4[%add3A_176, %dma_start3A_183] : memref<320000x128xf32, #tpu.memory_space<hbm>> -> memref<80x128xf32, #tpu.memory_space<hbm>>
    %dma_start3A_185 = tpu.memref_slice %arg9[%dma_start3A_178] : memref<4x!tpu.dma_semaphore, #tpu.memory_space<semaphore_mem>> -> memref<1x!tpu.dma_semaphore, #tpu.memory_space<semaphore_mem>>
    %dma_start3A_186 = tpu.memref_squeeze %dma_start3A_185 : memref<1x!tpu.dma_semaphore, #tpu.memory_space<semaphore_mem>> -> memref<!tpu.dma_semaphore, #tpu.memory_space<semaphore_mem>>
    %dma_start3A_187 = arith.constant 0 : i32
    %dma_start3A_188 = tpu.memref_slice %arg4[%add3A_176, %dma_start3A_187] : memref<320000x128xf32, #tpu.memory_space<hbm>> -> memref<80x128xf32, #tpu.memory_space<hbm>>
    %dma_start3A_189 = arith.constant 0 : i32
    %dma_start3A_190 = arith.constant 0 : i32
    %dma_start3A_191 = tpu.memref_slice %arg6[%dma_start3A_177, %dma_start3A_189, %dma_start3A_190] : memref<4x80x128xf32, #tpu.memory_space<vmem>> -> memref<1x80x128xf32, #tpu.memory_space<vmem>>
    %dma_start3A_192 = tpu.memref_squeeze %dma_start3A_191 : memref<1x80x128xf32, #tpu.memory_space<vmem>> -> memref<80x128xf32, #tpu.memory_space<vmem>>
    tpu.enqueue_dma source(%dma_start3A_192 : memref<80x128xf32, #tpu.memory_space<vmem>>) target(%dma_start3A_188 : memref<80x128xf32, #tpu.memory_space<hbm>>) target_semaphore(%dma_start3A_186 : memref<!tpu.dma_semaphore, #tpu.memory_space<semaphore_mem>>)
    %add3A_193 = arith.constant 9600 : i32
    %add3A_194 = arith.addi %mul3A_2, %add3A_193 : i32
    %dma_wait3A_195 = arith.constant 0 : i32
    %dma_wait3A_196 = arith.constant 0 : i32
    %dma_wait3A_197 = arith.constant 0 : i32
    %dma_wait3A_198 = arith.constant 0 : i32
    %dma_wait3A_199 = tpu.memref_slice %arg6[%dma_wait3A_195, %dma_wait3A_197, %dma_wait3A_198] : memref<4x80x128xf32, #tpu.memory_space<vmem>> -> memref<1x80x128xf32, #tpu.memory_space<vmem>>
    %dma_wait3A_200 = tpu.memref_squeeze %dma_wait3A_199 : memref<1x80x128xf32, #tpu.memory_space<vmem>> -> memref<80x128xf32, #tpu.memory_space<vmem>>
    %dma_wait3A_201 = arith.constant 0 : i32
    %dma_wait3A_202 = tpu.memref_slice %arg4[%add3A_194, %dma_wait3A_201] : memref<320000x128xf32, #tpu.memory_space<hbm>> -> memref<80x128xf32, #tpu.memory_space<hbm>>
    %dma_wait3A_203 = tpu.memref_slice %arg9[%dma_wait3A_196] : memref<4x!tpu.dma_semaphore, #tpu.memory_space<semaphore_mem>> -> memref<1x!tpu.dma_semaphore, #tpu.memory_space<semaphore_mem>>
    %dma_wait3A_204 = tpu.memref_squeeze %dma_wait3A_203 : memref<1x!tpu.dma_semaphore, #tpu.memory_space<semaphore_mem>> -> memref<!tpu.dma_semaphore, #tpu.memory_space<semaphore_mem>>
    %dma_wait3A_205 = arith.constant 0 : i32
    %dma_wait3A_206 = tpu.memref_slice %arg4[%add3A_194, %dma_wait3A_205] : memref<320000x128xf32, #tpu.memory_space<hbm>> -> memref<80x128xf32, #tpu.memory_space<hbm>>
    %dma_wait3A_207 = arith.constant 0 : i32
    %dma_wait3A_208 = arith.constant 0 : i32
    %dma_wait3A_209 = tpu.memref_slice %arg6[%dma_wait3A_195, %dma_wait3A_207, %dma_wait3A_208] : memref<4x80x128xf32, #tpu.memory_space<vmem>> -> memref<1x80x128xf32, #tpu.memory_space<vmem>>
    %dma_wait3A_210 = tpu.memref_squeeze %dma_wait3A_209 : memref<1x80x128xf32, #tpu.memory_space<vmem>> -> memref<80x128xf32, #tpu.memory_space<vmem>>
    tpu.wait_dma2 semaphore(%dma_wait3A_204 : memref<!tpu.dma_semaphore, #tpu.memory_space<semaphore_mem>>) src(%dma_wait3A_210 : memref<80x128xf32, #tpu.memory_space<vmem>>) dst(%dma_wait3A_206 : memref<80x128xf32, #tpu.memory_space<hbm>>)
    %dma_start3A_211 = arith.constant 0 : i32
    %dma_start3A_212 = arith.constant 0 : i32
    %dma_start3A_213 = arith.constant 0 : i32
    %dma_start3A_214 = arith.constant 0 : i32
    %dma_start3A_215 = tpu.memref_slice %arg6[%dma_start3A_211, %dma_start3A_213, %dma_start3A_214] : memref<4x80x128xf32, #tpu.memory_space<vmem>> -> memref<1x80x128xf32, #tpu.memory_space<vmem>>
    %dma_start3A_216 = tpu.memref_squeeze %dma_start3A_215 : memref<1x80x128xf32, #tpu.memory_space<vmem>> -> memref<80x128xf32, #tpu.memory_space<vmem>>
    %dma_start3A_217 = arith.constant 0 : i32
    %dma_start3A_218 = arith.constant 0 : i32
    %dma_start3A_219 = tpu.memref_slice %dma_start3A_216[%dma_start3A_217, %dma_start3A_218] : memref<80x128xf32, #tpu.memory_space<vmem>> -> memref<80x128xf32, #tpu.memory_space<vmem>>
    %dma_start3A_220 = arith.constant 9920 : i32
    %dma_start3A_221 = tpu.memref_slice %arg5[%dma_start3A_220] : memref<10000xi32, #tpu.memory_space<vmem>> -> memref<80xi32, #tpu.memory_space<vmem>>
    %dma_start3A_222 = arith.constant 0 : i32
    %dma_start3A_223 = arith.constant 0 : i32
    %dma_start3A_224 = tpu.memref_slice %arg7[%dma_start3A_222, %dma_start3A_223] : memref<10000x128xf32, #tpu.memory_space<vmem_shared>> -> memref<10000x128xf32, #tpu.memory_space<vmem_shared>>
    %dma_start3A_225 = tpu.memref_slice %arg8[%dma_start3A_212] : memref<4x!tpu.dma_semaphore, #tpu.memory_space<semaphore_mem>> -> memref<1x!tpu.dma_semaphore, #tpu.memory_space<semaphore_mem>>
    %dma_start3A_226 = tpu.memref_squeeze %dma_start3A_225 : memref<1x!tpu.dma_semaphore, #tpu.memory_space<semaphore_mem>> -> memref<!tpu.dma_semaphore, #tpu.memory_space<semaphore_mem>>
    tpu.enqueue_indirect_dma source(%dma_start3A_224 : memref<10000x128xf32, #tpu.memory_space<vmem_shared>>) target(%dma_start3A_219 : memref<80x128xf32, #tpu.memory_space<vmem>>) offsets(%dma_start3A_221 : memref<80xi32, #tpu.memory_space<vmem>>) semaphore(%dma_start3A_226 : memref<!tpu.dma_semaphore, #tpu.memory_space<semaphore_mem>>)
    %dma_wait3A_227 = arith.constant 2 : i32
    %dma_wait3A_228 = arith.constant 2 : i32
    %dma_wait3A_229 = arith.constant 0 : i32
    %dma_wait3A_230 = arith.constant 0 : i32
    %dma_wait3A_231 = tpu.memref_slice %arg6[%dma_wait3A_227, %dma_wait3A_229, %dma_wait3A_230] : memref<4x80x128xf32, #tpu.memory_space<vmem>> -> memref<1x80x128xf32, #tpu.memory_space<vmem>>
    %dma_wait3A_232 = tpu.memref_squeeze %dma_wait3A_231 : memref<1x80x128xf32, #tpu.memory_space<vmem>> -> memref<80x128xf32, #tpu.memory_space<vmem>>
    %dma_wait3A_233 = arith.constant 0 : i32
    %dma_wait3A_234 = arith.constant 0 : i32
    %dma_wait3A_235 = tpu.memref_slice %arg2[%dma_wait3A_233, %dma_wait3A_234] : memref<10000x128xf32, #tpu.memory_space<hbm>> -> memref<80x128xf32, #tpu.memory_space<hbm>>
    %dma_wait3A_236 = tpu.memref_slice %arg8[%dma_wait3A_228] : memref<4x!tpu.dma_semaphore, #tpu.memory_space<semaphore_mem>> -> memref<1x!tpu.dma_semaphore, #tpu.memory_space<semaphore_mem>>
    %dma_wait3A_237 = tpu.memref_squeeze %dma_wait3A_236 : memref<1x!tpu.dma_semaphore, #tpu.memory_space<semaphore_mem>> -> memref<!tpu.dma_semaphore, #tpu.memory_space<semaphore_mem>>
    %dma_wait3A_238 = arith.constant 0 : i32
    %dma_wait3A_239 = arith.constant 0 : i32
    %dma_wait3A_240 = tpu.memref_slice %arg6[%dma_wait3A_227, %dma_wait3A_238, %dma_wait3A_239] : memref<4x80x128xf32, #tpu.memory_space<vmem>> -> memref<1x80x128xf32, #tpu.memory_space<vmem>>
    %dma_wait3A_241 = tpu.memref_squeeze %dma_wait3A_240 : memref<1x80x128xf32, #tpu.memory_space<vmem>> -> memref<80x128xf32, #tpu.memory_space<vmem>>
    %dma_wait3A_242 = arith.constant 0 : i32
    %dma_wait3A_243 = arith.constant 0 : i32
    %dma_wait3A_244 = tpu.memref_slice %arg2[%dma_wait3A_242, %dma_wait3A_243] : memref<10000x128xf32, #tpu.memory_space<hbm>> -> memref<80x128xf32, #tpu.memory_space<hbm>>
    tpu.wait_dma2 semaphore(%dma_wait3A_237 : memref<!tpu.dma_semaphore, #tpu.memory_space<semaphore_mem>>) src(%dma_wait3A_244 : memref<80x128xf32, #tpu.memory_space<hbm>>) dst(%dma_wait3A_241 : memref<80x128xf32, #tpu.memory_space<vmem>>)
    %add3A_245 = arith.constant 9760 : i32
    %add3A_246 = arith.addi %mul3A_2, %add3A_245 : i32
    %dma_start3A_247 = arith.constant 2 : i32
    %dma_start3A_248 = arith.constant 2 : i32
    %dma_start3A_249 = arith.constant 0 : i32
    %dma_start3A_250 = arith.constant 0 : i32
    %dma_start3A_251 = tpu.memref_slice %arg6[%dma_start3A_247, %dma_start3A_249, %dma_start3A_250] : memref<4x80x128xf32, #tpu.memory_space<vmem>> -> memref<1x80x128xf32, #tpu.memory_space<vmem>>
    %dma_start3A_252 = tpu.memref_squeeze %dma_start3A_251 : memref<1x80x128xf32, #tpu.memory_space<vmem>> -> memref<80x128xf32, #tpu.memory_space<vmem>>
    %dma_start3A_253 = arith.constant 0 : i32
    %dma_start3A_254 = tpu.memref_slice %arg4[%add3A_246, %dma_start3A_253] : memref<320000x128xf32, #tpu.memory_space<hbm>> -> memref<80x128xf32, #tpu.memory_space<hbm>>
    %dma_start3A_255 = tpu.memref_slice %arg9[%dma_start3A_248] : memref<4x!tpu.dma_semaphore, #tpu.memory_space<semaphore_mem>> -> memref<1x!tpu.dma_semaphore, #tpu.memory_space<semaphore_mem>>
    %dma_start3A_256 = tpu.memref_squeeze %dma_start3A_255 : memref<1x!tpu.dma_semaphore, #tpu.memory_space<semaphore_mem>> -> memref<!tpu.dma_semaphore, #tpu.memory_space<semaphore_mem>>
    %dma_start3A_257 = arith.constant 0 : i32
    %dma_start3A_258 = tpu.memref_slice %arg4[%add3A_246, %dma_start3A_257] : memref<320000x128xf32, #tpu.memory_space<hbm>> -> memref<80x128xf32, #tpu.memory_space<hbm>>
    %dma_start3A_259 = arith.constant 0 : i32
    %dma_start3A_260 = arith.constant 0 : i32
    %dma_start3A_261 = tpu.memref_slice %arg6[%dma_start3A_247, %dma_start3A_259, %dma_start3A_260] : memref<4x80x128xf32, #tpu.memory_space<vmem>> -> memref<1x80x128xf32, #tpu.memory_space<vmem>>
    %dma_start3A_262 = tpu.memref_squeeze %dma_start3A_261 : memref<1x80x128xf32, #tpu.memory_space<vmem>> -> memref<80x128xf32, #tpu.memory_space<vmem>>
    tpu.enqueue_dma source(%dma_start3A_262 : memref<80x128xf32, #tpu.memory_space<vmem>>) target(%dma_start3A_258 : memref<80x128xf32, #tpu.memory_space<hbm>>) target_semaphore(%dma_start3A_256 : memref<!tpu.dma_semaphore, #tpu.memory_space<semaphore_mem>>)
    %add3A_263 = arith.constant 9680 : i32
    %add3A_264 = arith.addi %mul3A_2, %add3A_263 : i32
    %dma_wait3A_265 = arith.constant 1 : i32
    %dma_wait3A_266 = arith.constant 1 : i32
    %dma_wait3A_267 = arith.constant 0 : i32
    %dma_wait3A_268 = arith.constant 0 : i32
    %dma_wait3A_269 = tpu.memref_slice %arg6[%dma_wait3A_265, %dma_wait3A_267, %dma_wait3A_268] : memref<4x80x128xf32, #tpu.memory_space<vmem>> -> memref<1x80x128xf32, #tpu.memory_space<vmem>>
    %dma_wait3A_270 = tpu.memref_squeeze %dma_wait3A_269 : memref<1x80x128xf32, #tpu.memory_space<vmem>> -> memref<80x128xf32, #tpu.memory_space<vmem>>
    %dma_wait3A_271 = arith.constant 0 : i32
    %dma_wait3A_272 = tpu.memref_slice %arg4[%add3A_264, %dma_wait3A_271] : memref<320000x128xf32, #tpu.memory_space<hbm>> -> memref<80x128xf32, #tpu.memory_space<hbm>>
    %dma_wait3A_273 = tpu.memref_slice %arg9[%dma_wait3A_266] : memref<4x!tpu.dma_semaphore, #tpu.memory_space<semaphore_mem>> -> memref<1x!tpu.dma_semaphore, #tpu.memory_space<semaphore_mem>>
    %dma_wait3A_274 = tpu.memref_squeeze %dma_wait3A_273 : memref<1x!tpu.dma_semaphore, #tpu.memory_space<semaphore_mem>> -> memref<!tpu.dma_semaphore, #tpu.memory_space<semaphore_mem>>
    %dma_wait3A_275 = arith.constant 0 : i32
    %dma_wait3A_276 = tpu.memref_slice %arg4[%add3A_264, %dma_wait3A_275] : memref<320000x128xf32, #tpu.memory_space<hbm>> -> memref<80x128xf32, #tpu.memory_space<hbm>>
    %dma_wait3A_277 = arith.constant 0 : i32
    %dma_wait3A_278 = arith.constant 0 : i32
    %dma_wait3A_279 = tpu.memref_slice %arg6[%dma_wait3A_265, %dma_wait3A_277, %dma_wait3A_278] : memref<4x80x128xf32, #tpu.memory_space<vmem>> -> memref<1x80x128xf32, #tpu.memory_space<vmem>>
    %dma_wait3A_280 = tpu.memref_squeeze %dma_wait3A_279 : memref<1x80x128xf32, #tpu.memory_space<vmem>> -> memref<80x128xf32, #tpu.memory_space<vmem>>
    tpu.wait_dma2 semaphore(%dma_wait3A_274 : memref<!tpu.dma_semaphore, #tpu.memory_space<semaphore_mem>>) src(%dma_wait3A_280 : memref<80x128xf32, #tpu.memory_space<vmem>>) dst(%dma_wait3A_276 : memref<80x128xf32, #tpu.memory_space<hbm>>)
    %dma_wait3A_281 = arith.constant 3 : i32
    %dma_wait3A_282 = arith.constant 3 : i32
    %dma_wait3A_283 = arith.constant 0 : i32
    %dma_wait3A_284 = arith.constant 0 : i32
    %dma_wait3A_285 = tpu.memref_slice %arg6[%dma_wait3A_281, %dma_wait3A_283, %dma_wait3A_284] : memref<4x80x128xf32, #tpu.memory_space<vmem>> -> memref<1x80x128xf32, #tpu.memory_space<vmem>>
    %dma_wait3A_286 = tpu.memref_squeeze %dma_wait3A_285 : memref<1x80x128xf32, #tpu.memory_space<vmem>> -> memref<80x128xf32, #tpu.memory_space<vmem>>
    %dma_wait3A_287 = arith.constant 0 : i32
    %dma_wait3A_288 = arith.constant 0 : i32
    %dma_wait3A_289 = tpu.memref_slice %arg2[%dma_wait3A_287, %dma_wait3A_288] : memref<10000x128xf32, #tpu.memory_space<hbm>> -> memref<80x128xf32, #tpu.memory_space<hbm>>
    %dma_wait3A_290 = tpu.memref_slice %arg8[%dma_wait3A_282] : memref<4x!tpu.dma_semaphore, #tpu.memory_space<semaphore_mem>> -> memref<1x!tpu.dma_semaphore, #tpu.memory_space<semaphore_mem>>
    %dma_wait3A_291 = tpu.memref_squeeze %dma_wait3A_290 : memref<1x!tpu.dma_semaphore, #tpu.memory_space<semaphore_mem>> -> memref<!tpu.dma_semaphore, #tpu.memory_space<semaphore_mem>>
    %dma_wait3A_292 = arith.constant 0 : i32
    %dma_wait3A_293 = arith.constant 0 : i32
    %dma_wait3A_294 = tpu.memref_slice %arg6[%dma_wait3A_281, %dma_wait3A_292, %dma_wait3A_293] : memref<4x80x128xf32, #tpu.memory_space<vmem>> -> memref<1x80x128xf32, #tpu.memory_space<vmem>>
    %dma_wait3A_295 = tpu.memref_squeeze %dma_wait3A_294 : memref<1x80x128xf32, #tpu.memory_space<vmem>> -> memref<80x128xf32, #tpu.memory_space<vmem>>
    %dma_wait3A_296 = arith.constant 0 : i32
    %dma_wait3A_297 = arith.constant 0 : i32
    %dma_wait3A_298 = tpu.memref_slice %arg2[%dma_wait3A_296, %dma_wait3A_297] : memref<10000x128xf32, #tpu.memory_space<hbm>> -> memref<80x128xf32, #tpu.memory_space<hbm>>
    tpu.wait_dma2 semaphore(%dma_wait3A_291 : memref<!tpu.dma_semaphore, #tpu.memory_space<semaphore_mem>>) src(%dma_wait3A_298 : memref<80x128xf32, #tpu.memory_space<hbm>>) dst(%dma_wait3A_295 : memref<80x128xf32, #tpu.memory_space<vmem>>)
    %add3A_299 = arith.constant 9840 : i32
    %add3A_300 = arith.addi %mul3A_2, %add3A_299 : i32
    %dma_start3A_301 = arith.constant 3 : i32
    %dma_start3A_302 = arith.constant 3 : i32
    %dma_start3A_303 = arith.constant 0 : i32
    %dma_start3A_304 = arith.constant 0 : i32
    %dma_start3A_305 = tpu.memref_slice %arg6[%dma_start3A_301, %dma_start3A_303, %dma_start3A_304] : memref<4x80x128xf32, #tpu.memory_space<vmem>> -> memref<1x80x128xf32, #tpu.memory_space<vmem>>
    %dma_start3A_306 = tpu.memref_squeeze %dma_start3A_305 : memref<1x80x128xf32, #tpu.memory_space<vmem>> -> memref<80x128xf32, #tpu.memory_space<vmem>>
    %dma_start3A_307 = arith.constant 0 : i32
    %dma_start3A_308 = tpu.memref_slice %arg4[%add3A_300, %dma_start3A_307] : memref<320000x128xf32, #tpu.memory_space<hbm>> -> memref<80x128xf32, #tpu.memory_space<hbm>>
    %dma_start3A_309 = tpu.memref_slice %arg9[%dma_start3A_302] : memref<4x!tpu.dma_semaphore, #tpu.memory_space<semaphore_mem>> -> memref<1x!tpu.dma_semaphore, #tpu.memory_space<semaphore_mem>>
    %dma_start3A_310 = tpu.memref_squeeze %dma_start3A_309 : memref<1x!tpu.dma_semaphore, #tpu.memory_space<semaphore_mem>> -> memref<!tpu.dma_semaphore, #tpu.memory_space<semaphore_mem>>
    %dma_start3A_311 = arith.constant 0 : i32
    %dma_start3A_312 = tpu.memref_slice %arg4[%add3A_300, %dma_start3A_311] : memref<320000x128xf32, #tpu.memory_space<hbm>> -> memref<80x128xf32, #tpu.memory_space<hbm>>
    %dma_start3A_313 = arith.constant 0 : i32
    %dma_start3A_314 = arith.constant 0 : i32
    %dma_start3A_315 = tpu.memref_slice %arg6[%dma_start3A_301, %dma_start3A_313, %dma_start3A_314] : memref<4x80x128xf32, #tpu.memory_space<vmem>> -> memref<1x80x128xf32, #tpu.memory_space<vmem>>
    %dma_start3A_316 = tpu.memref_squeeze %dma_start3A_315 : memref<1x80x128xf32, #tpu.memory_space<vmem>> -> memref<80x128xf32, #tpu.memory_space<vmem>>
    tpu.enqueue_dma source(%dma_start3A_316 : memref<80x128xf32, #tpu.memory_space<vmem>>) target(%dma_start3A_312 : memref<80x128xf32, #tpu.memory_space<hbm>>) target_semaphore(%dma_start3A_310 : memref<!tpu.dma_semaphore, #tpu.memory_space<semaphore_mem>>)
    %add3A_317 = arith.constant 9760 : i32
    %add3A_318 = arith.addi %mul3A_2, %add3A_317 : i32
    %dma_wait3A_319 = arith.constant 2 : i32
    %dma_wait3A_320 = arith.constant 2 : i32
    %dma_wait3A_321 = arith.constant 0 : i32
    %dma_wait3A_322 = arith.constant 0 : i32
    %dma_wait3A_323 = tpu.memref_slice %arg6[%dma_wait3A_319, %dma_wait3A_321, %dma_wait3A_322] : memref<4x80x128xf32, #tpu.memory_space<vmem>> -> memref<1x80x128xf32, #tpu.memory_space<vmem>>
    %dma_wait3A_324 = tpu.memref_squeeze %dma_wait3A_323 : memref<1x80x128xf32, #tpu.memory_space<vmem>> -> memref<80x128xf32, #tpu.memory_space<vmem>>
    %dma_wait3A_325 = arith.constant 0 : i32
    %dma_wait3A_326 = tpu.memref_slice %arg4[%add3A_318, %dma_wait3A_325] : memref<320000x128xf32, #tpu.memory_space<hbm>> -> memref<80x128xf32, #tpu.memory_space<hbm>>
    %dma_wait3A_327 = tpu.memref_slice %arg9[%dma_wait3A_320] : memref<4x!tpu.dma_semaphore, #tpu.memory_space<semaphore_mem>> -> memref<1x!tpu.dma_semaphore, #tpu.memory_space<semaphore_mem>>
    %dma_wait3A_328 = tpu.memref_squeeze %dma_wait3A_327 : memref<1x!tpu.dma_semaphore, #tpu.memory_space<semaphore_mem>> -> memref<!tpu.dma_semaphore, #tpu.memory_space<semaphore_mem>>
    %dma_wait3A_329 = arith.constant 0 : i32
    %dma_wait3A_330 = tpu.memref_slice %arg4[%add3A_318, %dma_wait3A_329] : memref<320000x128xf32, #tpu.memory_space<hbm>> -> memref<80x128xf32, #tpu.memory_space<hbm>>
    %dma_wait3A_331 = arith.constant 0 : i32
    %dma_wait3A_332 = arith.constant 0 : i32
    %dma_wait3A_333 = tpu.memref_slice %arg6[%dma_wait3A_319, %dma_wait3A_331, %dma_wait3A_332] : memref<4x80x128xf32, #tpu.memory_space<vmem>> -> memref<1x80x128xf32, #tpu.memory_space<vmem>>
    %dma_wait3A_334 = tpu.memref_squeeze %dma_wait3A_333 : memref<1x80x128xf32, #tpu.memory_space<vmem>> -> memref<80x128xf32, #tpu.memory_space<vmem>>
    tpu.wait_dma2 semaphore(%dma_wait3A_328 : memref<!tpu.dma_semaphore, #tpu.memory_space<semaphore_mem>>) src(%dma_wait3A_334 : memref<80x128xf32, #tpu.memory_space<vmem>>) dst(%dma_wait3A_330 : memref<80x128xf32, #tpu.memory_space<hbm>>)
    %dma_wait3A_335 = arith.constant 0 : i32
    %dma_wait3A_336 = arith.constant 0 : i32
    %dma_wait3A_337 = arith.constant 0 : i32
    %dma_wait3A_338 = arith.constant 0 : i32
    %dma_wait3A_339 = tpu.memref_slice %arg6[%dma_wait3A_335, %dma_wait3A_337, %dma_wait3A_338] : memref<4x80x128xf32, #tpu.memory_space<vmem>> -> memref<1x80x128xf32, #tpu.memory_space<vmem>>
    %dma_wait3A_340 = tpu.memref_squeeze %dma_wait3A_339 : memref<1x80x128xf32, #tpu.memory_space<vmem>> -> memref<80x128xf32, #tpu.memory_space<vmem>>
    %dma_wait3A_341 = arith.constant 0 : i32
    %dma_wait3A_342 = arith.constant 0 : i32
    %dma_wait3A_343 = tpu.memref_slice %arg2[%dma_wait3A_341, %dma_wait3A_342] : memref<10000x128xf32, #tpu.memory_space<hbm>> -> memref<80x128xf32, #tpu.memory_space<hbm>>
    %dma_wait3A_344 = tpu.memref_slice %arg8[%dma_wait3A_336] : memref<4x!tpu.dma_semaphore, #tpu.memory_space<semaphore_mem>> -> memref<1x!tpu.dma_semaphore, #tpu.memory_space<semaphore_mem>>
    %dma_wait3A_345 = tpu.memref_squeeze %dma_wait3A_344 : memref<1x!tpu.dma_semaphore, #tpu.memory_space<semaphore_mem>> -> memref<!tpu.dma_semaphore, #tpu.memory_space<semaphore_mem>>
    %dma_wait3A_346 = arith.constant 0 : i32
    %dma_wait3A_347 = arith.constant 0 : i32
    %dma_wait3A_348 = tpu.memref_slice %arg6[%dma_wait3A_335, %dma_wait3A_346, %dma_wait3A_347] : memref<4x80x128xf32, #tpu.memory_space<vmem>> -> memref<1x80x128xf32, #tpu.memory_space<vmem>>
    %dma_wait3A_349 = tpu.memref_squeeze %dma_wait3A_348 : memref<1x80x128xf32, #tpu.memory_space<vmem>> -> memref<80x128xf32, #tpu.memory_space<vmem>>
    %dma_wait3A_350 = arith.constant 0 : i32
    %dma_wait3A_351 = arith.constant 0 : i32
    %dma_wait3A_352 = tpu.memref_slice %arg2[%dma_wait3A_350, %dma_wait3A_351] : memref<10000x128xf32, #tpu.memory_space<hbm>> -> memref<80x128xf32, #tpu.memory_space<hbm>>
    tpu.wait_dma2 semaphore(%dma_wait3A_345 : memref<!tpu.dma_semaphore, #tpu.memory_space<semaphore_mem>>) src(%dma_wait3A_352 : memref<80x128xf32, #tpu.memory_space<hbm>>) dst(%dma_wait3A_349 : memref<80x128xf32, #tpu.memory_space<vmem>>)
    %add3A_353 = arith.constant 9920 : i32
    %add3A_354 = arith.addi %mul3A_2, %add3A_353 : i32
    %dma_start3A_355 = arith.constant 0 : i32
    %dma_start3A_356 = arith.constant 0 : i32
    %dma_start3A_357 = arith.constant 0 : i32
    %dma_start3A_358 = arith.constant 0 : i32
    %dma_start3A_359 = tpu.memref_slice %arg6[%dma_start3A_355, %dma_start3A_357, %dma_start3A_358] : memref<4x80x128xf32, #tpu.memory_space<vmem>> -> memref<1x80x128xf32, #tpu.memory_space<vmem>>
    %dma_start3A_360 = tpu.memref_squeeze %dma_start3A_359 : memref<1x80x128xf32, #tpu.memory_space<vmem>> -> memref<80x128xf32, #tpu.memory_space<vmem>>
    %dma_start3A_361 = arith.constant 0 : i32
    %dma_start3A_362 = tpu.memref_slice %arg4[%add3A_354, %dma_start3A_361] : memref<320000x128xf32, #tpu.memory_space<hbm>> -> memref<80x128xf32, #tpu.memory_space<hbm>>
    %dma_start3A_363 = tpu.memref_slice %arg9[%dma_start3A_356] : memref<4x!tpu.dma_semaphore, #tpu.memory_space<semaphore_mem>> -> memref<1x!tpu.dma_semaphore, #tpu.memory_space<semaphore_mem>>
    %dma_start3A_364 = tpu.memref_squeeze %dma_start3A_363 : memref<1x!tpu.dma_semaphore, #tpu.memory_space<semaphore_mem>> -> memref<!tpu.dma_semaphore, #tpu.memory_space<semaphore_mem>>
    %dma_start3A_365 = arith.constant 0 : i32
    %dma_start3A_366 = tpu.memref_slice %arg4[%add3A_354, %dma_start3A_365] : memref<320000x128xf32, #tpu.memory_space<hbm>> -> memref<80x128xf32, #tpu.memory_space<hbm>>
    %dma_start3A_367 = arith.constant 0 : i32
    %dma_start3A_368 = arith.constant 0 : i32
    %dma_start3A_369 = tpu.memref_slice %arg6[%dma_start3A_355, %dma_start3A_367, %dma_start3A_368] : memref<4x80x128xf32, #tpu.memory_space<vmem>> -> memref<1x80x128xf32, #tpu.memory_space<vmem>>
    %dma_start3A_370 = tpu.memref_squeeze %dma_start3A_369 : memref<1x80x128xf32, #tpu.memory_space<vmem>> -> memref<80x128xf32, #tpu.memory_space<vmem>>
    tpu.enqueue_dma source(%dma_start3A_370 : memref<80x128xf32, #tpu.memory_space<vmem>>) target(%dma_start3A_366 : memref<80x128xf32, #tpu.memory_space<hbm>>) target_semaphore(%dma_start3A_364 : memref<!tpu.dma_semaphore, #tpu.memory_space<semaphore_mem>>)
    %add3A_371 = arith.constant 9840 : i32
    %add3A_372 = arith.addi %mul3A_2, %add3A_371 : i32
    %dma_wait3A_373 = arith.constant 3 : i32
    %dma_wait3A_374 = arith.constant 3 : i32
    %dma_wait3A_375 = arith.constant 0 : i32
    %dma_wait3A_376 = arith.constant 0 : i32
    %dma_wait3A_377 = tpu.memref_slice %arg6[%dma_wait3A_373, %dma_wait3A_375, %dma_wait3A_376] : memref<4x80x128xf32, #tpu.memory_space<vmem>> -> memref<1x80x128xf32, #tpu.memory_space<vmem>>
    %dma_wait3A_378 = tpu.memref_squeeze %dma_wait3A_377 : memref<1x80x128xf32, #tpu.memory_space<vmem>> -> memref<80x128xf32, #tpu.memory_space<vmem>>
    %dma_wait3A_379 = arith.constant 0 : i32
    %dma_wait3A_380 = tpu.memref_slice %arg4[%add3A_372, %dma_wait3A_379] : memref<320000x128xf32, #tpu.memory_space<hbm>> -> memref<80x128xf32, #tpu.memory_space<hbm>>
    %dma_wait3A_381 = tpu.memref_slice %arg9[%dma_wait3A_374] : memref<4x!tpu.dma_semaphore, #tpu.memory_space<semaphore_mem>> -> memref<1x!tpu.dma_semaphore, #tpu.memory_space<semaphore_mem>>
    %dma_wait3A_382 = tpu.memref_squeeze %dma_wait3A_381 : memref<1x!tpu.dma_semaphore, #tpu.memory_space<semaphore_mem>> -> memref<!tpu.dma_semaphore, #tpu.memory_space<semaphore_mem>>
    %dma_wait3A_383 = arith.constant 0 : i32
    %dma_wait3A_384 = tpu.memref_slice %arg4[%add3A_372, %dma_wait3A_383] : memref<320000x128xf32, #tpu.memory_space<hbm>> -> memref<80x128xf32, #tpu.memory_space<hbm>>
    %dma_wait3A_385 = arith.constant 0 : i32
    %dma_wait3A_386 = arith.constant 0 : i32
    %dma_wait3A_387 = tpu.memref_slice %arg6[%dma_wait3A_373, %dma_wait3A_385, %dma_wait3A_386] : memref<4x80x128xf32, #tpu.memory_space<vmem>> -> memref<1x80x128xf32, #tpu.memory_space<vmem>>
    %dma_wait3A_388 = tpu.memref_squeeze %dma_wait3A_387 : memref<1x80x128xf32, #tpu.memory_space<vmem>> -> memref<80x128xf32, #tpu.memory_space<vmem>>
    tpu.wait_dma2 semaphore(%dma_wait3A_382 : memref<!tpu.dma_semaphore, #tpu.memory_space<semaphore_mem>>) src(%dma_wait3A_388 : memref<80x128xf32, #tpu.memory_space<vmem>>) dst(%dma_wait3A_384 : memref<80x128xf32, #tpu.memory_space<hbm>>)
    %add3A_389 = arith.constant 9920 : i32
    %add3A_390 = arith.addi %mul3A_2, %add3A_389 : i32
    %dma_wait3A_391 = arith.constant 0 : i32
    %dma_wait3A_392 = arith.constant 0 : i32
    %dma_wait3A_393 = arith.constant 0 : i32
    %dma_wait3A_394 = arith.constant 0 : i32
    %dma_wait3A_395 = tpu.memref_slice %arg6[%dma_wait3A_391, %dma_wait3A_393, %dma_wait3A_394] : memref<4x80x128xf32, #tpu.memory_space<vmem>> -> memref<1x80x128xf32, #tpu.memory_space<vmem>>
    %dma_wait3A_396 = tpu.memref_squeeze %dma_wait3A_395 : memref<1x80x128xf32, #tpu.memory_space<vmem>> -> memref<80x128xf32, #tpu.memory_space<vmem>>
    %dma_wait3A_397 = arith.constant 0 : i32
    %dma_wait3A_398 = tpu.memref_slice %arg4[%add3A_390, %dma_wait3A_397] : memref<320000x128xf32, #tpu.memory_space<hbm>> -> memref<80x128xf32, #tpu.memory_space<hbm>>
    %dma_wait3A_399 = tpu.memref_slice %arg9[%dma_wait3A_392] : memref<4x!tpu.dma_semaphore, #tpu.memory_space<semaphore_mem>> -> memref<1x!tpu.dma_semaphore, #tpu.memory_space<semaphore_mem>>
    %dma_wait3A_400 = tpu.memref_squeeze %dma_wait3A_399 : memref<1x!tpu.dma_semaphore, #tpu.memory_space<semaphore_mem>> -> memref<!tpu.dma_semaphore, #tpu.memory_space<semaphore_mem>>
    %dma_wait3A_401 = arith.constant 0 : i32
    %dma_wait3A_402 = tpu.memref_slice %arg4[%add3A_390, %dma_wait3A_401] : memref<320000x128xf32, #tpu.memory_space<hbm>> -> memref<80x128xf32, #tpu.memory_space<hbm>>
    %dma_wait3A_403 = arith.constant 0 : i32
    %dma_wait3A_404 = arith.constant 0 : i32
    %dma_wait3A_405 = tpu.memref_slice %arg6[%dma_wait3A_391, %dma_wait3A_403, %dma_wait3A_404] : memref<4x80x128xf32, #tpu.memory_space<vmem>> -> memref<1x80x128xf32, #tpu.memory_space<vmem>>
    %dma_wait3A_406 = tpu.memref_squeeze %dma_wait3A_405 : memref<1x80x128xf32, #tpu.memory_space<vmem>> -> memref<80x128xf32, #tpu.memory_space<vmem>>
    tpu.wait_dma2 semaphore(%dma_wait3A_400 : memref<!tpu.dma_semaphore, #tpu.memory_space<semaphore_mem>>) src(%dma_wait3A_406 : memref<80x128xf32, #tpu.memory_space<vmem>>) dst(%dma_wait3A_402 : memref<80x128xf32, #tpu.memory_space<hbm>>)
    return
  }
}

</mosaic_0001>

<sc_bundles>
// kernel: kernel.3.cloned.1.call-start
scs
__scs_entry_jumppad:
0x0: {  	(pc) =	sbr.rel $0x88, $3  }
0x1: {  	(tag) =	ssettag $0x0;
	lr =	simm.s32 $0x1  }
0x2: {  	[smem:$0x3F9F] =	sst lr;
	_ =	strace $0xD0000000  }
0x3: {  	_ = 	snop  }
0x4: {  	_ = 	snop  }
0x5: {  	_ = 	snop  }
0x6: {  	_ = 	snop  }
0x7: {  	_ = 	snop  }
__scs_overlays_trampoline_lowered:
0x8: {  	[smem:$0x3FAE] =	sst s0  }
0x9: {  	[smem:$0x3FAF] =	sst s1  }
0xa: {  	[smem:$0x3FB0] =	sst s2  }
0xb: {  	[smem:$0x3FB1] =	sst s3  }
0xc: {  	[smem:$0x3FB2] =	sst s4  }
0xd: {  	[smem:$0x3FB3] =	sst s5  }
0xe: {  	[smem:$0x3FB4] =	sst s6  }
0xf: {  	[smem:$0x3FB5] =	sst s7  }
0x10: {  	[smem:$0x3FB6] =	sst s8  }
0x11: {  	[smem:$0x3FB7] =	sst s9;
	s0 =	simm.s32 @!p0 $0x0  }
0x12: {  	s1 =	sld [smem:$0x3F9D];
	s0 =	simm.s32 @p0 $0x1  }
0x13: {  	[smem:$0x3FB8] =	sst s0;
	s0 =	simm.s32 @!p1 $0x0  }
0x14: {  	s2 =	sld [smem:$0x3F9C];
	s0 =	simm.s32 @p1 $0x1  }
0x15: {  	[smem:$0x3FB9] =	sst s0;
	s0 =	simm.s32 @!p2 $0x0  }
0x16: {  	s3 =	sld [smem:$0x3FDB];
	s0 =	simm.s32 @p2 $0x1  }
0x17: {  	s4 =	simm.s32 $0x1BF5;
	[smem:$0x3FBB] =	sst s0  }
0x18: {  	s0 =	sld [smem:$0x3F9E];
	_ =	swait.ge [sflag:s4], $0x0  }
0x19: {  	s7 =	sld [smem:$0x3F9F]  }
0x1a: {  	s8 =	sadd.s32 $0xFFFFE003, lr  }
0x1b: {  	s9 =	sadd.s32 $0xFFFFFEF7, lr;
	s5 =	simm.s32 $0xFFFFFFFF;
	p2 =	slt.u32 s8, $0xFFFFF086  }
0x1c: {  	p1 =	slt.u32 s9, $0xF7A;
	s5 =	simm.s32 @!p2 $0x0  }
0x1d: {  	s5 =	simm.s32 @p1 $0x1;
	p0 =	seq.s32 s7, s2  }
0x1e: {  	s7 =	smul.u32 @!p0 $0xF7A, s2;
	p2 =	seq.s32 @!p0 s5, $0x0  }
0x1f: {  	s9 =	smul.u32 $0xF7A, s1;
	s8 =	simm.s32 @!p0 $0x1BF5;
	p2 =	por !p2, p0  }
0x20: {  	[sflag:s8] =	ssyncset.s32 @!p0 $0xFFFFF086;
	s6 =	sadd.s32 @!p0 s3, s7;
	s7 =	simm.s32 @!p0 $0x108  }
0x21: {  	s3 =	sadd.s32 s3, s9;
	s6 =	sadd.s32 @!p0 $0x88, s6;
	s7 =	simm.s32 @p2 $0x1082  }
0x22: {  	[simem:s7], [sflag:s8] =	dma.local @!p0 [hbm:s6], $0xF7A  }
0x23: {  	s9 =	sor.u32 $0xD0000000, s2;
	s6 =	simm.s32 $0x108;
	_ =	swait.ge @!p0 [sflag:s8], $0x0  }
0x24: {  	s3 =	sadd.s32 $0x88, s3;
	s6 =	simm.s32 @!p1 $0x1082;
	[sflag:s4] =	ssyncset.s32 $0xFFFFF086  }
0x25: {  	[simem:s6], [sflag:s4] =	dma.local [hbm:s3], $0xF7A  }
0x26: {  	[smem:$0x3F9F] =	sst s1;
	(tag) =	ssettag s2;
	_ =	strace s9  }
0x27: {  	s1 =	sld [smem:$0x3FAF]  }
0x28: {  	s2 =	sld [smem:$0x3FB0]  }
0x29: {  	s4 =	sld [smem:$0x3FB2]  }
0x2a: {  	p0 =	seq.s32 s5, $0x0;
	s5 =	sld [smem:$0x3FB3]  }
0x2b: {  	s6 =	sld [smem:$0x3FB4]  }
0x2c: {  	s7 =	sld [smem:$0x3FB5]  }
0x2d: {  	s3 =	simm.s32 $0x108;
	s8 =	sld [smem:$0x3FB6]  }
0x2e: {  	s3 =	simm.s32 @!p0 $0x1082;
	s9 =	sld [smem:$0x3FB7]  }
0x2f: {  	lr =	sadd.s32 s0, s3;
	s0 =	sld [smem:$0x3FAE]  }
0x30: {  	s3 =	sld [smem:$0x3FB1]  }
0x31: {  	[smem:$0x3FBA] =	sst s10  }
0x32: {  	s10 =	sld [smem:$0x3FB8];
	_ =	sdelay $0x3  }
0x33: {  	p0 =	seq.s32 s10, $0x1;
	s10 =	sld [smem:$0x3FBA];
	_ =	sdelay $0x3  }
0x34: {  	[smem:$0x3FBA] =	sst s10  }
0x35: {  	s10 =	sld [smem:$0x3FB9];
	_ =	sdelay $0x3  }
0x36: {  	p1 =	seq.s32 s10, $0x1;
	s10 =	sld [smem:$0x3FBA];
	_ =	sdelay $0x3  }
0x37: {  	[smem:$0x3FBA] =	sst s10  }
0x38: {  	s10 =	sld [smem:$0x3FBB]  }
0x39: {  	_ = 	snop;
	(pc) =	sbr.ind lr, $3  }
0x3a: {  	_ = 	snop  }
0x3b: {  	_ = 	snop  }
0x3c: {  	p2 =	seq.s32 s10, $0x1;
	s10 =	sld [smem:$0x3FBA]  }
0x3d: {  	_ =	shalt  }
0x3e: {  	_ =	shalt  }
0x3f: {  	_ =	shalt  }
0x40: {  	_ =	shalt  }
0x41: {  	_ =	shalt  }
0x42: {  	_ =	shalt  }
0x43: {  	_ =	shalt  }
0x44: {  	_ =	shalt  }
0x45: {  	_ =	shalt  }
0x46: {  	_ =	shalt  }
0x47: {  	_ =	shalt  }
0x48: {  	_ =	shalt  }
0x49: {  	_ =	shalt  }
0x4a: {  	_ =	shalt  }
0x4b: {  	_ =	shalt  }
0x4c: {  	_ =	shalt  }
0x4d: {  	_ =	shalt  }
0x4e: {  	_ =	shalt  }
0x4f: {  	_ =	shalt  }
0x50: {  	_ =	shalt  }
0x51: {  	_ =	shalt  }
0x52: {  	_ =	shalt  }
0x53: {  	_ =	shalt  }
0x54: {  	_ =	shalt  }
0x55: {  	_ =	shalt  }
0x56: {  	_ =	shalt  }
0x57: {  	_ =	shalt  }
0x58: {  	_ =	shalt  }
0x59: {  	_ =	shalt  }
0x5a: {  	_ =	shalt  }
0x5b: {  	_ =	shalt  }
0x5c: {  	_ =	shalt  }
0x5d: {  	_ =	shalt  }
0x5e: {  	_ =	shalt  }
0x5f: {  	_ =	shalt  }
0x60: {  	_ =	shalt  }
0x61: {  	_ =	shalt  }
0x62: {  	_ =	shalt  }
0x63: {  	_ =	shalt  }
0x64: {  	_ =	shalt  }
0x65: {  	_ =	shalt  }
0x66: {  	_ =	shalt  }
0x67: {  	_ =	shalt  }
0x68: {  	_ =	shalt  }
0x69: {  	_ =	shalt  }
0x6a: {  	_ =	shalt  }
0x6b: {  	_ =	shalt  }
0x6c: {  	_ =	shalt  }
0x6d: {  	_ =	shalt  }
0x6e: {  	_ =	shalt  }
0x6f: {  	_ =	shalt  }
0x70: {  	_ =	shalt  }
0x71: {  	_ =	shalt  }
0x72: {  	_ =	shalt  }
0x73: {  	_ =	shalt  }
0x74: {  	_ =	shalt  }
0x75: {  	_ =	shalt  }
0x76: {  	_ =	shalt  }
0x77: {  	_ =	shalt  }
0x78: {  	_ =	shalt  }
0x79: {  	_ =	shalt  }
0x7a: {  	_ =	shalt  }
0x7b: {  	_ =	shalt  }
0x7c: {  	_ =	shalt  }
0x7d: {  	_ =	shalt  }
0x7e: {  	_ =	shalt  }
0x7f: {  	_ =	shalt  }
0x80: {  	_ =	shalt  }
0x81: {  	_ =	shalt  }
0x82: {  	_ =	shalt  }
0x83: {  	_ =	shalt  }
0x84: {  	_ =	shalt  }
0x85: {  	_ =	shalt  }
0x86: {  	_ =	shalt  }
0x87: {  	_ =	shalt  }
.Lfunc_end0:
.L_simem_size_0:
called_computation_lowered:
.L_overlay_start_0:
0x88: {  	s2 =	sld [smem:$0x3FD9]  }
0x89: {  	s3 =	sld [smem:$0x3FFE];
	_ =	sdelay $0x1  }
0x8a: {  	s1 =	srdreg.scid  }
0x8b: {  	s0 =	sand.u32 $0x1, s1  }
0x8c: {  	s17 =	sshll.u32 s0, $0xA;
	s2 =	sadd.s32 s3, s2  }
0x8d: {  	s2 =	sadd.s32 s2, s17  }
0x8e: {  	[smem:$0x3FC6] =	sst s2  }
0x8f: {  	_ = 	snop  }
0x90: {  	s2 =	sld [smem:$0x3FC9]  }
0x91: {  	s18 =	sld [smem:$0x3FD0];
	(tm) =	ssettm $0x1  }
0x92: {  	s4 =	sld [smem:$0x3FFB];
	_ =	sdelay $0x3  }
0x93: {  	_ =	strace s4  }
0x94: {  	s4 =	sld [smem:$0x3FFC];
	_ =	sdelay $0x3  }
0x95: {  	_ =	strace s4  }
0x96: {  	s4 =	sld [smem:$0x3FFD];
	_ =	sdelay $0x3  }
0x97: {  	_ =	strace s4  }
0x98: {  	_ =	strace $0x8FFFFFFF  }
0x99: {  	s19 =	sld [smem:$0x3FDB];
	_ =	sdelay $0x1  }
0x9a: {  	s5 =	simm.s32 $_scs_section_size  }
0x9b: {  	s6 =	simm.s32 $_size__tile_overlayer_lowered;
	s7 =	simm.s32 $_tile_overlayer_lowered  }
0x9c: {  	s22 =	simm.s32 $0x1BFF;
	s21 =	sshll.u32 s7, $0x1;
	s4 =	sadd.s32 s5, s19  }
0x9d: {  	s8 =	simm.s32 $0x0;
	s20 =	sshll.u32 s6, $0x1;
	s6 =	sadd.s32 s21, s4  }
0x9e: {  	[timem:s8], [sflag:s22] =	dma.local [hbm:s6], s20  }
0x9f: {  	_ =	swait.ge [sflag:s22], s20  }
0xa0: {  	s5 =	ssub.s32 $0x0, s20;
	[sflag:s22] =	ssyncset.done $0x0  }
0xa1: {  	[sflag:s22] =	ssyncadd.s32 s5;
	_ =	sdelay $0x1  }
0xa2: {  	s23 =	simm.s32 $0x1B8B  }
0xa3: {  	_ =	swait.ge [sflag:s23], $0x1  }
0xa4: {  	[sflag:s23] =	ssyncset.done $0x0  }
0xa5: {  	s25 =	simm.s32 $0x1B8E;
	s24 =	sld [smem:$0x3FFE];
	[sflag:s23] =	ssyncadd.s32 $0xFFFFFFFF  }
0xa6: {  	s26 =	simm.s32 $execute0_lowered;
	[smem:$0x3FD2] =	sst s25  }
0xa7: {  	s6 =	sshll.u32 s26, $0x1;
	_ =	strace $0x80000046;
	[dreg:$0x1] =	wrdreg $0xFFFFFFFF  }
0xa8: {  	s28 =	simm.s32 $_size_execute0_lowered;
	s4 =	sadd.s32 s4, s6;
	[dreg:$0x0] =	wrdreg $0x0  }
0xa9: {  	s6 =	sshll.u32 s28, $0x1;
	[dreg:$0x2] =	wrdreg s4  }
0xaa: {  	[dreg:$0x3] =	wrdreg s6  }
0xab: {  	[dreg:$0x4] =	wrdreg $0xC0  }
0xac: {  	_ =	task [dreg:s8], $0x5FFFF  }
0xad: {  	[dreg:$0x1] =	wrdreg $0xFFFFFFFF  }
0xae: {  	[dreg:$0x0] =	wrdreg $0x60  }
0xaf: {  	[dreg:$0x2] =	wrdreg s2  }
0xb0: {  	[dreg:$0x3] =	wrdreg s24  }
0xb1: {  	[dreg:$0x4] =	wrdreg s18  }
0xb2: {  	[dreg:$0x5] =	wrdreg $0xC7800  }
0xb3: {  	[dreg:$0x6] =	wrdreg $0x9  }
0xb4: {  	_ =	task.clear_ibuf [dreg:s8], $0x7FFFF;
	_ =	strace $0x90000046  }
0xb5: {  	s29 =	simm.s32 $0x9;
	_ =	strace $0x80000048  }
0xb6: {  	_ =	swait.ge [sflag:s29], $0x1  }
0xb7: {  	[sflag:s29] =	ssyncadd.s32 $0xFFFFFFFF  }
0xb8: {  	_ =	strace $0x90000048  }
0xb9: {  	_ =	sfence  }
0xba: {  	s30 =	sld [smem:$0x0];
	_ =	sdelay $0x2  }
0xbb: {  	s31 =	sshll.u32 s1, $0xD;
	s1 =	sshrl.u32 s1, $0x2  }
0xbc: {  	s3 =	sand.u32 $0x4000, s31;
	s1 =	sadd.s32 s1, s30  }
0xbd: {  	s0 =	sor.u32 s3, s0;
	s1 =	sshll.u32 s1, $0x11  }
0xbe: {  	s0 =	sor.u32 s1, s0  }
0xbf: {  	s0 =	sadd.s32 $0x8F2B, s0  }
0xc0: {  	[sflag:s0] =	ssyncadd.remote.s32 $0x1  }
0xc1: {  	_ =	sfence.sel $0xFFFF  }
0xc2: {  	[dreg:$0x0] =	wrdreg $0xFFFFFFFF;
	(pc) =	sbr.abs _section_cstart, $3  }
0xc3: {  	[dreg:$0x1] =	wrdreg $0xFFFFFFFF  }
0xc4: {  	_ =	task.clear_ibuf [dreg:s8], $0x2FFFF;
	_ =	strace $0x9FFFFFFF  }
0xc5: {  	(tm) =	ssettm $0x7FFFFFFF  }
tec
execute0_lowered:
.L_overlay_start_1:
0x0: {  	(tag) =	ssettag $0x1  }
0x1: {  	s0 =	rddreg [dreg:$0x0]  }
0x2: {  	s6 =	rddreg [dreg:$0x1]  }
0x3: {  	s7 =	rddreg [dreg:$0x2]  }
0x4: {  	s1 =	rddreg [dreg:$0x3];
	s19 =	stileid.u32  }
0x5: {  	s2 =	srdreg.scid;
	s5 =	smul.u32 $0x50000, s19  }
0x6: {  	s3 =	simm.s32 $0x0;
	s8 =	sand.u32 $0x1, s2;
	s9 =	smul.u32 $0x280, s19  }
0x7: {  	[smem:$0x7FF] =	sst s3;
	s15 =	sshll.u32 s19, $0x1;
	s10 =	smul.u32 $0x2800, s19  }
0x8: {  	s26 =	smul.u32 $0x4E200, s19;
	p0 =	seq.s32 s19, $0xF;
	s2 =	ssub.s32 $0x2, s8  }
0x9: {  	_ =	strace $0x80000047;
	s11 =	sor.u32 s8, s15;
	s8 =	smul.u32 $0x27100, s8  }
0xa: {  	s4 =	sshrl.u32 s2, $0x1;
	s5 =	sshrl.u32 s5, $0x2;
	s12 =	sor.u32 $0x50, s9  }
0xb: {  	s16 =	sadd.s32 s0, s10;
	s18 =	sadd.s32 $0xA0, s9;
	s20 =	sadd.s32 $0xF0, s9  }
0xc: {  	s21 =	sadd.s32 $0x140, s9;
	s22 =	sadd.s32 $0x190, s9;
	s24 =	smul.u32 $0x138800, s11  }
0xd: {  	s28 =	sadd.s32 $0x1E0, s9;
	s9 =	sadd.s32 $0x230, s9;
	s4 =	ssub.s32 s2, s4  }
0xe: {  	s2 =	sadd.s32 s5, s1;
	[dreg:$0x5] =	wrdreg s16;
	s17 =	sshll.u32 s12, $0x7  }
0xf: {  	s12 =	sshll.u32 s12, $0x4;
	s13 =	sshll.u32 s18, $0x7;
	s10 =	sshll.u32 s18, $0x4  }
0x10: {  	s14 =	sshll.u32 s20, $0x7;
	s15 =	sshll.u32 s21, $0x7;
	s16 =	sshrl.u32 s19, $0x2  }
0x11: {  	s18 =	sshll.u32 s11, $0x7;
	s11 =	smul.u32 $0x27100, s11;
	s29 =	sshll.u32 s28, $0x7  }
0x12: {  	s19 =	simm.s32 $0x5;
	s5 =	sadd.s32 s17, s1;
	s12 =	sadd.s32 s0, s12  }
0x13: {  	s13 =	sadd.s32 s13, s1;
	s10 =	sadd.s32 s0, s10;
	s14 =	sadd.s32 s14, s1  }
0x14: {  	s17 =	sshll.u32 s22, $0x7;
	s16 =	smul.u32 $0x13C00, s16;
	s23 =	sand.u32 $0x380, s18  }
0x15: {  	s25 =	sshrl.u32 s24, $0x3;
	s18 =	sshll.u32 s9, $0x4;
	[dreg:$0x6] =	wrdreg s12  }
0x16: {  	[dreg:$0x7] =	wrdreg s10;
	s10 =	sshll.u32 s20, $0x4;
	s12 =	sshll.u32 s21, $0x4  }
0x17: {  	s17 =	sadd.s32 s17, s1;
	s21 =	sadd.s32 $0x25800, s0;
	s31 =	sshrl.u32 @!p0 s14, $0x3  }
0x18: {  	s14 =	simm.s32 $0x4F80;
	s10 =	sadd.s32 s0, s10;
	[dreg:$0xe] =	wrdreg s21  }
0x19: {  	s12 =	sadd.s32 s0, s12;
	s21 =	simm.s32 $0x6;
	[dreg:$0x8] =	wrdreg s10  }
0x1a: {  	s10 =	sadd.s32 s15, s1;
	[dreg:$0x9] =	wrdreg s12;
	s15 =	sshll.u32 s22, $0x4  }
0x1b: {  	s12 =	sor.u32 s16, s23;
	s16 =	sadd.s32 s7, s11;
	s11 =	sadd.s32 s29, s1  }
0x1c: {  	s22 =	sadd.s32 $0x26200, s0;
	s29 =	smax.u32 s4, $0x1;
	s4 =	sadd.s32 $0x131000, s1  }
0x1d: {  	s15 =	sadd.s32 s0, s15;
	s12 =	sshrl.u32 s12, $0x3;
	[dreg:$0xf] =	wrdreg s22  }
0x1e: {  	[dreg:$0x16] =	wrdreg s29;
	s30 =	smov.u32 s16;
	s22 =	simm.s32 $0x4  }
0x1f: {  	[dreg:$0xa] =	wrdreg s15;
	s6 =	sadd.s32 s6, s12;
	s15 =	sshll.u32 s28, $0x4  }
0x20: {  	[dreg:$0xb] =	wrdreg s6;
	s6 =	sadd.s32 s7, s25;
	s7 =	sadd.s32 s26, s7  }
0x21: {  	s20 =	sadd.s32 s0, s15;
	s15 =	simm.s32 $0x7780;
	s12 =	sadd.s32 s8, s7  }
0x22: {  	s8 =	sshll.u32 s9, $0x7;
	[dreg:$0xc] =	wrdreg s20;
	s23 =	sadd.s32 $0x25800, s6  }
0x23: {  	s24 =	sadd.s32 $0x25D00, s6;
	s25 =	sadd.s32 $0x26200, s6;
	[dreg:$0x11] =	wrdreg s23  }
0x24: {  	s26 =	sadd.s32 $0x26700, s6;
	s28 =	sadd.s32 $0x26C00, s6;
	[dreg:$0x12] =	wrdreg s24  }
0x25: {  	s6 =	sadd.s32 $0x500, s16;
	s9 =	simm.s32 $0xA;
	[dreg:$0x13] =	wrdreg s25  }
0x26: {  	s20 =	simm.s32 $0x3;
	s7 =	sadd.s32 s8, s1;
	[dreg:$0x14] =	wrdreg s26  }
0x27: {  	s8 =	sadd.s32 s0, s18;
	s0 =	sadd.s32 $0x26C00, s0;
	[dreg:$0x15] =	wrdreg s28  }
0x28: {  	s18 =	simm.s32 $0x2;
	[dreg:$0x10] =	wrdreg s0;
	s0 =	sadd.s32 $0x12C000, s1  }
0x29: {  	s23 =	simm.s32 $0x7;
	[dreg:$0xd] =	wrdreg s8;
	s0 =	sshrl.u32 @p0 s0, $0x3  }
0x2a: {  	s24 =	simm.s32 $0x8;
	[dreg:$0x17] =	wrdreg s0;
	s0 =	sshrl.u32 @p0 s4, $0x3  }
0x2b: {  	s25 =	simm.s32 $0x0;
	[dreg:$0x18] =	wrdreg s0;
	s0 =	sadd.s32 $0x136000, s1  }
0x2c: {  	s8 =	sadd.s32 $0xF00, s16;
	s4 =	sshrl.u32 @!p0 s11, $0x3;
	s0 =	sshrl.u32 @p0 s0, $0x3  }
0x2d: {  	[dreg:$0x19] =	wrdreg s0;
	s0 =	sshrl.u32 @!p0 s2, $0x3;
	s2 =	sshrl.u32 @!p0 s17, $0x3  }
0x2e: {  	s17 =	simm.s32 $0x9F80;
	[dreg:$0x1a] =	wrdreg s0;
	s0 =	sshrl.u32 @!p0 s5, $0x3  }
0x2f: {  	s5 =	sshrl.u32 @!p0 s7, $0x3;
	s7 =	sadd.s32 $0xA00, s16;
	s16 =	simm.s32 $0x1  }
0x30: {  	[dreg:$0x1b] =	wrdreg s0;
	s0 =	sshrl.u32 @!p0 s13, $0x3;
	s13 =	simm.s32 $0x2780  }
0x31: {  	[dreg:$0x1c] =	wrdreg s0;
	s0 =	sshrl.u32 @!p0 s10, $0x3;
	s10 =	simm.s32 $0x50  }
.LBB2_1:
0x32: {  	s26 =	rddreg [dreg:$0xe]  }
0x33: {  	s11 =	simm.s32 @p0 $0x1FC9;
	s28 =	rddreg [dreg:$0x17]  }
0x34: {  	[spmem:s28], [sflag:s11] =	dma.local @p0 [hbm:s26], $0xA00  }
0x35: {  	s26 =	rddreg [dreg:$0xf]  }
0x36: {  	s28 =	rddreg [dreg:$0x18]  }
0x37: {  	[spmem:s28], [sflag:s11] =	dma.local @p0 [hbm:s26], $0xA00  }
0x38: {  	s26 =	rddreg [dreg:$0x10]  }
0x39: {  	s28 =	rddreg [dreg:$0x19]  }
0x3a: {  	[spmem:s28], [sflag:s11] =	dma.local @p0 [hbm:s26], $0x500  }
0x3b: {  	s11 =	stileid.u32  }
0x3c: {  	s11 =	sshll.u32 @!p0 s11, $0x6;
	s26 =	rddreg [dreg:$0x5]  }
0x3d: {  	s28 =	rddreg [dreg:$0x1a];
	s11 =	sor.u32 @!p0 $0x1C09, s11  }
0x3e: {  	[spmem:s28], [sflag:s11] =	dma.local @!p0 [hbm:s26], $0x500  }
0x3f: {  	s26 =	rddreg [dreg:$0x6]  }
0x40: {  	s28 =	rddreg [dreg:$0x1b]  }
0x41: {  	[spmem:s28], [sflag:s11] =	dma.local @!p0 [hbm:s26], $0x500  }
0x42: {  	s26 =	rddreg [dreg:$0x7]  }
0x43: {  	s28 =	rddreg [dreg:$0x1c]  }
0x44: {  	[spmem:s28], [sflag:s11] =	dma.local @!p0 [hbm:s26], $0x500  }
0x45: {  	s26 =	rddreg [dreg:$0x8]  }
0x46: {  	[spmem:s31], [sflag:s11] =	dma.local @!p0 [hbm:s26], $0x500  }
0x47: {  	s26 =	rddreg [dreg:$0x9]  }
0x48: {  	[spmem:s0], [sflag:s11] =	dma.local @!p0 [hbm:s26], $0x500  }
0x49: {  	s26 =	rddreg [dreg:$0xa]  }
0x4a: {  	[spmem:s2], [sflag:s11] =	dma.local @!p0 [hbm:s26], $0x500  }
0x4b: {  	s26 =	rddreg [dreg:$0xc]  }
0x4c: {  	[spmem:s4], [sflag:s11] =	dma.local @!p0 [hbm:s26], $0x500  }
0x4d: {  	s26 =	rddreg [dreg:$0xd]  }
0x4e: {  	[spmem:s5], [sflag:s11] =	dma.local @!p0 [hbm:s26], $0x500  }
0x4f: {  	s29 =	simm.s32 $0x80;
	s28 =	simm.s32 $0x400;
	s11 =	rddreg [dreg:$0xb]  }
0x50: {  	[tilespmem:s3], [sflag:$0xA] =	stream.strided.gather [hbm4b:s11+s29], $0x2780, s28, s29, $0x38;
	v63 =	vld [tilespmem:$0x0]  }
0x51: {  	_ =	swait.ge [sflag:s9], $0x2780  }
0x52: {  	[sflag:s9] =	ssyncset.done $0x0  }
0x53: {  	s11 =	simm.s32 @p0 $0x9;
	[sflag:s9] =	ssyncadd.s32 $0xFFFFD880  }
0x54: {  	_ =	swait.ge @p0 [sflag:s11], $0x1900  }
0x55: {  	[sflag:s11] =	ssyncset.done @p0 $0x0  }
0x56: {  	[sflag:s11] =	ssyncadd.s32 @p0 $0xFFFFE700;
	s11 =	simm.s32 @!p0 $0x9  }
0x57: {  	_ =	swait.ge @!p0 [sflag:s11], $0x2800  }
0x58: {  	[sflag:s11] =	ssyncset.done @!p0 $0x0  }
0x59: {  	[sflag:s11] =	ssyncadd.s32 @!p0 $0xFFFFD800  }
0x5a: {  	[bflag:$0x0] =	sbarrier.arrive $0xFFFF  }
0x5b: {  	[tilespmem:s13], [sflag:$0x1] =	stream.indirect.gather [spmem:s1], $0x80, s3, s10, $0xb8;
	v63 =	vld [tilespmem:$0x0]  }
0x5c: {  	_ = 	snop  }
0x5d: {  	[tilespmem:s14], [sflag:$0x2] =	stream.indirect.gather [spmem:s1], $0x80, s10, s10, $0xb8;
	v63 =	vld [tilespmem:$0x0]  }
0x5e: {  	s26 =	simm.s32 $0xA0  }
0x5f: {  	[tilespmem:s15], [sflag:$0x3] =	stream.indirect.gather [spmem:s1], $0x80, s26, s10, $0xb8;
	v63 =	vld [tilespmem:$0x0]  }
0x60: {  	_ =	swait.ge [sflag:s16], $0x2800  }
0x61: {  	[sflag:s16] =	ssyncset.done $0x0  }
0x62: {  	[sflag:s16] =	ssyncadd.s32 $0xFFFFD800  }
0x63: {  	[hbm4b:s30+s3] =	stream.linear.scatter [tilespmem:s13], [sflag:$0x5], $0x2800, $0x38;
	v63 =	vld [tilespmem:$0x0]  }
0x64: {  	s29 =	simm.s32 $0xF0  }
0x65: {  	[tilespmem:s17], [sflag:$0x4] =	stream.indirect.gather [spmem:s1], $0x80, s29, s10, $0xb8;
	v63 =	vld [tilespmem:$0x0]  }
0x66: {  	_ =	swait.ge [sflag:s18], $0x2800  }
0x67: {  	[sflag:s18] =	ssyncset.done $0x0  }
0x68: {  	[sflag:s18] =	ssyncadd.s32 $0xFFFFD800  }
0x69: {  	[hbm4b:s6+s3] =	stream.linear.scatter [tilespmem:s14], [sflag:$0x6], $0x2800, $0x38;
	v63 =	vld [tilespmem:$0x0]  }
0x6a: {  	_ =	swait.ge [sflag:s19], $0x2800  }
0x6b: {  	[sflag:s19] =	ssyncset.done $0x0  }
0x6c: {  	s26 =	simm.s32 $0x140;
	[sflag:s19] =	ssyncadd.s32 $0xFFFFD800  }
0x6d: {  	[tilespmem:s13], [sflag:$0x1] =	stream.indirect.gather [spmem:s1], $0x80, s26, s10, $0xb8;
	v63 =	vld [tilespmem:$0x0]  }
0x6e: {  	_ =	swait.ge [sflag:s20], $0x2800  }
0x6f: {  	[sflag:s20] =	ssyncset.done $0x0  }
0x70: {  	[sflag:s20] =	ssyncadd.s32 $0xFFFFD800  }
0x71: {  	[hbm4b:s7+s3] =	stream.linear.scatter [tilespmem:s15], [sflag:$0x7], $0x2800, $0x38;
	v63 =	vld [tilespmem:$0x0]  }
0x72: {  	_ =	swait.ge [sflag:s21], $0x2800  }
0x73: {  	[sflag:s21] =	ssyncset.done $0x0  }
0x74: {  	s29 =	simm.s32 $0x190;
	[sflag:s21] =	ssyncadd.s32 $0xFFFFD800  }
0x75: {  	[tilespmem:s14], [sflag:$0x2] =	stream.indirect.gather [spmem:s1], $0x80, s29, s10, $0xb8;
	v63 =	vld [tilespmem:$0x0]  }
0x76: {  	_ =	swait.ge [sflag:s22], $0x2800  }
0x77: {  	[sflag:s22] =	ssyncset.done $0x0  }
0x78: {  	[sflag:s22] =	ssyncadd.s32 $0xFFFFD800  }
0x79: {  	[hbm4b:s8+s3] =	stream.linear.scatter [tilespmem:s17], [sflag:$0x8], $0x2800, $0x38;
	v63 =	vld [tilespmem:$0x0]  }
0x7a: {  	_ =	swait.ge [sflag:s23], $0x2800  }
0x7b: {  	[sflag:s23] =	ssyncset.done $0x0  }
0x7c: {  	s26 =	simm.s32 $0x1E0;
	[sflag:s23] =	ssyncadd.s32 $0xFFFFD800  }
0x7d: {  	[tilespmem:s15], [sflag:$0x3] =	stream.indirect.gather [spmem:s1], $0x80, s26, s10, $0xb8;
	v63 =	vld [tilespmem:$0x0]  }
0x7e: {  	_ =	swait.ge [sflag:s16], $0x2800  }
0x7f: {  	s26 =	sadd.s32 $0x0, s12;
	[sflag:s16] =	ssyncset.done $0x0  }
0x80: {  	s29 =	sadd.s32 $0x1400, s26;
	[sflag:s16] =	ssyncadd.s32 $0xFFFFD800  }
0x81: {  	[hbm4b:s29+s3] =	stream.linear.scatter [tilespmem:s13], [sflag:$0x5], $0x2800, $0x38;
	v63 =	vld [tilespmem:$0x0]  }
0x82: {  	_ =	swait.ge [sflag:s24], $0x2800  }
0x83: {  	[sflag:s24] =	ssyncset.done $0x0  }
0x84: {  	s29 =	simm.s32 $0x230;
	[sflag:s24] =	ssyncadd.s32 $0xFFFFD800  }
0x85: {  	[tilespmem:s17], [sflag:$0x4] =	stream.indirect.gather [spmem:s1], $0x80, s29, s10, $0xb8;
	v63 =	vld [tilespmem:$0x0]  }
0x86: {  	_ =	swait.ge [sflag:s18], $0x2800  }
0x87: {  	[sflag:s18] =	ssyncset.done $0x0  }
0x88: {  	s29 =	sadd.s32 $0x1900, s26;
	[sflag:s18] =	ssyncadd.s32 $0xFFFFD800  }
0x89: {  	[hbm4b:s29+s3] =	stream.linear.scatter [tilespmem:s14], [sflag:$0x6], $0x2800, $0x38;
	v63 =	vld [tilespmem:$0x0]  }
0x8a: {  	_ =	swait.ge [sflag:s19], $0x2800  }
0x8b: {  	[sflag:s19] =	ssyncset.done $0x0  }
0x8c: {  	s29 =	simm.s32 $0x280;
	[sflag:s19] =	ssyncadd.s32 $0xFFFFD800  }
0x8d: {  	[tilespmem:s13], [sflag:$0x1] =	stream.indirect.gather [spmem:s1], $0x80, s29, s10, $0xb8;
	v63 =	vld [tilespmem:$0x0]  }
0x8e: {  	_ =	swait.ge [sflag:s20], $0x2800  }
0x8f: {  	[sflag:s20] =	ssyncset.done $0x0  }
0x90: {  	s29 =	sadd.s32 $0x1E00, s26;
	[sflag:s20] =	ssyncadd.s32 $0xFFFFD800  }
0x91: {  	[hbm4b:s29+s3] =	stream.linear.scatter [tilespmem:s15], [sflag:$0x7], $0x2800, $0x38;
	v63 =	vld [tilespmem:$0x0]  }
0x92: {  	_ =	swait.ge [sflag:s21], $0x2800  }
0x93: {  	[sflag:s21] =	ssyncset.done $0x0  }
0x94: {  	s29 =	simm.s32 $0x2D0;
	[sflag:s21] =	ssyncadd.s32 $0xFFFFD800  }
0x95: {  	[tilespmem:s14], [sflag:$0x2] =	stream.indirect.gather [spmem:s1], $0x80, s29, s10, $0xb8;
	v63 =	vld [tilespmem:$0x0]  }
0x96: {  	_ =	swait.ge [sflag:s22], $0x2800  }
0x97: {  	s11 =	simm.s32 $0x1400;
	[sflag:s22] =	ssyncset.done $0x0  }
0x98: {  	s28 =	sadd.s32 $0x2300, s26;
	s26 =	simm.s32 $0x410;
	[sflag:s22] =	ssyncadd.s32 $0xFFFFD800  }
.LBB2_2:
0x99: {  	[hbm4b:s28+s3] =	stream.linear.scatter [tilespmem:s17], [sflag:$0x8], $0x2800, $0x38;
	v63 =	vld [tilespmem:$0x0]  }
0x9a: {  	s28 =	smov.u32 s11  }
0x9b: {  	p1 =	sne.s32 s11, $0x23000;
	s11 =	sadd.s32 $0x1400, s11;
	_ =	swait.ge [sflag:s23], $0x2800  }
0x9c: {  	[sflag:s23] =	ssyncset.done $0x0  }
0x9d: {  	s29 =	sadd.s32 $0xFFFFFF10, s26;
	[sflag:s23] =	ssyncadd.s32 $0xFFFFD800  }
0x9e: {  	[tilespmem:s15], [sflag:$0x3] =	stream.indirect.gather [spmem:s1], $0x80, s29, s10, $0xb8;
	v63 =	vld [tilespmem:$0x0]  }
0x9f: {  	_ =	swait.ge [sflag:s16], $0x2800  }
0xa0: {  	s28 =	sadd.s32 s28, s12;
	[sflag:s16] =	ssyncset.done $0x0  }
0xa1: {  	s29 =	sadd.s32 $0x1400, s28;
	[sflag:s16] =	ssyncadd.s32 $0xFFFFD800  }
0xa2: {  	[hbm4b:s29+s3] =	stream.linear.scatter [tilespmem:s13], [sflag:$0x5], $0x2800, $0x38;
	v63 =	vld [tilespmem:$0x0]  }
0xa3: {  	_ =	swait.ge [sflag:s24], $0x2800  }
0xa4: {  	[sflag:s24] =	ssyncset.done $0x0  }
0xa5: {  	s29 =	sadd.s32 $0xFFFFFF60, s26;
	[sflag:s24] =	ssyncadd.s32 $0xFFFFD800  }
0xa6: {  	[tilespmem:s17], [sflag:$0x4] =	stream.indirect.gather [spmem:s1], $0x80, s29, s10, $0xb8;
	v63 =	vld [tilespmem:$0x0]  }
0xa7: {  	_ =	swait.ge [sflag:s18], $0x2800  }
0xa8: {  	[sflag:s18] =	ssyncset.done $0x0  }
0xa9: {  	s29 =	sadd.s32 $0x1900, s28;
	[sflag:s18] =	ssyncadd.s32 $0xFFFFD800  }
0xaa: {  	[hbm4b:s29+s3] =	stream.linear.scatter [tilespmem:s14], [sflag:$0x6], $0x2800, $0x38;
	v63 =	vld [tilespmem:$0x0]  }
0xab: {  	_ =	swait.ge [sflag:s19], $0x2800  }
0xac: {  	[sflag:s19] =	ssyncset.done $0x0  }
0xad: {  	s29 =	sadd.s32 $0xFFFFFFB0, s26;
	[sflag:s19] =	ssyncadd.s32 $0xFFFFD800  }
0xae: {  	[tilespmem:s13], [sflag:$0x1] =	stream.indirect.gather [spmem:s1], $0x80, s29, s10, $0xb8;
	v63 =	vld [tilespmem:$0x0]  }
0xaf: {  	_ =	swait.ge [sflag:s20], $0x2800  }
0xb0: {  	[sflag:s20] =	ssyncset.done $0x0  }
0xb1: {  	s29 =	sadd.s32 $0x1E00, s28;
	[sflag:s20] =	ssyncadd.s32 $0xFFFFD800  }
0xb2: {  	[hbm4b:s29+s3] =	stream.linear.scatter [tilespmem:s15], [sflag:$0x7], $0x2800, $0x38;
	v63 =	vld [tilespmem:$0x0]  }
0xb3: {  	_ =	swait.ge [sflag:s21], $0x2800  }
0xb4: {  	[sflag:s21] =	ssyncset.done $0x0  }
.Ltmp0:
0xb5: {  	[sflag:s21] =	ssyncadd.s32 $0xFFFFD800;
	(pc) =	sbr.rel @p1 .LBB2_2-.Ltmp0, $4  }
0xb6: {  	[tilespmem:s14], [sflag:$0x2] =	stream.indirect.gather [spmem:s1], $0x80, s26, s10, $0xb8;
	v63 =	vld [tilespmem:$0x0]  }
0xb7: {  	_ =	swait.ge [sflag:s22], $0x2800  }
0xb8: {  	[sflag:s22] =	ssyncset.done $0x0  }
0xb9: {  	s28 =	sadd.s32 $0x2300, s28;
	s26 =	sadd.s32 $0x140, s26;
	[sflag:s22] =	ssyncadd.s32 $0xFFFFD800  }
0xba: {  	[hbm4b:s28+s3] =	stream.linear.scatter [tilespmem:s17], [sflag:$0x8], $0x2800, $0x38;
	v63 =	vld [tilespmem:$0x0]  }
0xbb: {  	_ =	swait.ge [sflag:s23], $0x2800  }
0xbc: {  	[sflag:s23] =	ssyncset.done $0x0  }
0xbd: {  	s11 =	simm.s32 $0x2620;
	[sflag:s23] =	ssyncadd.s32 $0xFFFFD800  }
0xbe: {  	[tilespmem:s15], [sflag:$0x3] =	stream.indirect.gather [spmem:s1], $0x80, s11, s10, $0xb8;
	v63 =	vld [tilespmem:$0x0]  }
0xbf: {  	_ =	swait.ge [sflag:s16], $0x2800  }
0xc0: {  	[sflag:s16] =	ssyncset.done $0x0  }
0xc1: {  	s28 =	rddreg [dreg:$0x11];
	[sflag:s16] =	ssyncadd.s32 $0xFFFFD800  }
0xc2: {  	[hbm4b:s28+s3] =	stream.linear.scatter [tilespmem:s13], [sflag:$0x5], $0x2800, $0x38;
	v63 =	vld [tilespmem:$0x0]  }
0xc3: {  	_ =	swait.ge [sflag:s24], $0x2800  }
0xc4: {  	[sflag:s24] =	ssyncset.done $0x0  }
0xc5: {  	s29 =	simm.s32 $0x2670;
	[sflag:s24] =	ssyncadd.s32 $0xFFFFD800  }
0xc6: {  	[tilespmem:s17], [sflag:$0x4] =	stream.indirect.gather [spmem:s1], $0x80, s29, s10, $0xb8;
	v63 =	vld [tilespmem:$0x0]  }
0xc7: {  	_ =	swait.ge [sflag:s18], $0x2800  }
0xc8: {  	[sflag:s18] =	ssyncset.done $0x0  }
0xc9: {  	s26 =	rddreg [dreg:$0x12];
	[sflag:s18] =	ssyncadd.s32 $0xFFFFD800  }
0xca: {  	[hbm4b:s26+s3] =	stream.linear.scatter [tilespmem:s14], [sflag:$0x6], $0x2800, $0x38;
	v63 =	vld [tilespmem:$0x0]  }
0xcb: {  	_ =	swait.ge [sflag:s19], $0x2800  }
0xcc: {  	[sflag:s19] =	ssyncset.done $0x0  }
0xcd: {  	s28 =	simm.s32 $0x26C0;
	[sflag:s19] =	ssyncadd.s32 $0xFFFFD800  }
0xce: {  	[tilespmem:s13], [sflag:$0x1] =	stream.indirect.gather [spmem:s1], $0x80, s28, s10, $0xb8;
	v63 =	vld [tilespmem:$0x0]  }
0xcf: {  	_ =	swait.ge [sflag:s20], $0x2800  }
0xd0: {  	[sflag:s20] =	ssyncset.done $0x0  }
0xd1: {  	s29 =	rddreg [dreg:$0x13];
	[sflag:s20] =	ssyncadd.s32 $0xFFFFD800  }
0xd2: {  	[hbm4b:s29+s3] =	stream.linear.scatter [tilespmem:s15], [sflag:$0x7], $0x2800, $0x38;
	v63 =	vld [tilespmem:$0x0]  }
0xd3: {  	_ =	swait.ge [sflag:s21], $0x2800  }
0xd4: {  	[sflag:s21] =	ssyncset.done $0x0  }
0xd5: {  	[sflag:s21] =	ssyncadd.s32 $0xFFFFD800  }
0xd6: {  	_ =	swait.ge [sflag:s22], $0x2800  }
0xd7: {  	[sflag:s22] =	ssyncset.done $0x0  }
0xd8: {  	s26 =	rddreg [dreg:$0x14];
	[sflag:s22] =	ssyncadd.s32 $0xFFFFD800  }
0xd9: {  	[hbm4b:s26+s3] =	stream.linear.scatter [tilespmem:s17], [sflag:$0x8], $0x2800, $0x38;
	v63 =	vld [tilespmem:$0x0]  }
0xda: {  	_ =	swait.ge [sflag:s23], $0x2800  }
0xdb: {  	[sflag:s23] =	ssyncset.done $0x0  }
0xdc: {  	[sflag:s23] =	ssyncadd.s32 $0xFFFFD800  }
0xdd: {  	_ =	swait.ge [sflag:s16], $0x2800  }
0xde: {  	[sflag:s16] =	ssyncset.done $0x0  }
0xdf: {  	s28 =	rddreg [dreg:$0x15];
	[sflag:s16] =	ssyncadd.s32 $0xFFFFD800  }
0xe0: {  	[hbm4b:s28+s3] =	stream.linear.scatter [tilespmem:s13], [sflag:$0x5], $0x2800, $0x38;
	v63 =	vld [tilespmem:$0x0]  }
0xe1: {  	_ =	swait.ge [sflag:s24], $0x2800  }
0xe2: {  	[sflag:s24] =	ssyncset.done $0x0  }
0xe3: {  	[sflag:s24] =	ssyncadd.s32 $0xFFFFD800  }
0xe4: {  	_ =	swait.ge [sflag:s19], $0x2800  }
0xe5: {  	s25 =	sadd.s32 $0x1, s25;
	s29 =	rddreg [dreg:$0x16]  }
0xe6: {  	p1 =	sne.s32 s25, s29  }
.Ltmp1:
0xe7: {  	_ = 	snop;
	(pc) =	sbr.rel @p1 .LBB2_1-.Ltmp1, $3  }
0xe8: {  	_ =	sdelay $0x1  }
0xe9: {  	[sflag:s19] =	ssyncset.done $0x0  }
0xea: {  	[sflag:s19] =	ssyncadd.s32 $0xFFFFD800  }
0xeb: {  	_ =	sfence.sel $0x180000  }
0xec: {  	[bflag:$0x0] =	sbarrier.arrive $0xFFFF  }
0xed: {  	_ =	strace $0x90000047  }
0xee: {  	s0 =	stileid.u32;
	[bflag:$0x2] =	sbarrier.arrive $0xFFFF  }
0xef: {  	p0 =	sne.s32 s0, $0x0;
	s0 =	rddreg [dreg:$0x4]  }
0xf0: {  	s0 =	sadd.s32 @!p0 $0x100000, s0  }
0xf1: {  	[sflag:s0] =	ssyncadd.tile.s32 @!p0 $0x1;
	_ =	shalt  }
.Lfunc_end2:
_tile_overlayer_lowered:
.L_overlay_start_2:
0xf2: {  	(tag) =	ssettag $0x2  }
0xf3: {  	s0 =	rddreg [dreg:$0x0];
	s2 =	stileid.u32  }
0xf4: {  	s1 =	rddreg [dreg:$0x1];
	p0 =	sne.s32 s2, $0x0  }
0xf5: {  	s3 =	rddreg [dreg:$0x2];
	[bflag:$0x3] =	sbarrier.arrive $0xFFFF;
	s2 =	simm.s32 @!p0 $0x1C0A  }
0xf6: {  	[timem:s3], [sflag:s2] =	dma.local @!p0 [hbm:s0], s1  }
0xf7: {  	s0 =	simm.s32 @!p0 $0xA  }
0xf8: {  	_ =	swait.ge @!p0 [sflag:s0], s1  }
0xf9: {  	s1 =	ssub.s32 @!p0 $0x0, s1;
	[sflag:s0] =	ssyncset.done @!p0 $0x0  }
0xfa: {  	[sflag:s0] =	ssyncadd.s32 @!p0 s1  }
0xfb: {  	[bflag:$0x3] =	sbarrier.arrive $0xFFFF  }
0xfc: {  	_ =	shalt  }

</sc_bundles>
